<compile_context>
chip_gen: v7x
topology: tpu7x:2x2x1
jax: 0.10.2.dev20260603
libtpu: 0.0.44.dev20260713+nightly
codegen_flags: <defaults>
</compile_context>

<pallas_src>
import functools

import jax
import jax.numpy as jnp
from jax.experimental import pallas as pl
from jax.experimental.pallas import tpu as pltpu
from jax.experimental.pallas import tpu_sc as plsc

T = 2048
D = 1024
F = 1024
E = 8
K = 2
TM = 256
TR = 256
G = (T * K) // TR + E
P = G * TR

NC = 2
NS = 16
NW = NC * NS
TPW = T // NW


def _router_kernel(x_ref, Wr_ref, rb_ref,
                   i1_ref, i2_ref, w1_ref, w2_ref, r1_ref, r2_ref, cnt_ref):
    t = pl.program_id(0)
    xt = x_ref[...]

    logits = jnp.dot(xt, Wr_ref[...], preferred_element_type=jnp.float32)
    logits = logits - jnp.max(logits, axis=-1, keepdims=True)
    ex = jnp.exp(logits)
    scores = ex / jnp.sum(ex, axis=-1, keepdims=True)
    sel = scores + rb_ref[...]
    iota_e = jax.lax.broadcasted_iota(jnp.int32, (TM, E), 1)

    m1 = jnp.max(sel, axis=-1, keepdims=True)
    i1 = jnp.min(jnp.where(sel == m1, iota_e, E), axis=-1, keepdims=True)
    sel2 = jnp.where(iota_e == i1, -jnp.inf, sel)
    m2 = jnp.max(sel2, axis=-1, keepdims=True)
    i2 = jnp.min(jnp.where(sel2 == m2, iota_e, E), axis=-1, keepdims=True)

    g1 = jnp.sum(jnp.where(iota_e == i1, scores, 0.0), axis=-1, keepdims=True)
    g2 = jnp.sum(jnp.where(iota_e == i2, scores, 0.0), axis=-1, keepdims=True)
    denom = g1 + g2 + 1e-9
    i1_ref[...] = i1
    i2_ref[...] = i2
    w1_ref[...] = g1 / denom
    w2_ref[...] = g2 / denom

    oh1 = (iota_e == i1).astype(jnp.float32)
    oh2 = (iota_e == i2).astype(jnp.float32)
    oh12 = oh1 + oh2
    ir = jax.lax.broadcasted_iota(jnp.int32, (TM, TM), 0)
    ic = jax.lax.broadcasted_iota(jnp.int32, (TM, TM), 1)
    tri = (ir > ic).astype(jnp.float32)
    pre = jnp.dot(tri, oh12, preferred_element_type=jnp.float32)
    carry = jnp.where(t == 0, 0, cnt_ref[...]).astype(jnp.float32)
    prefix = pre + carry
    r1_ref[...] = jnp.sum(prefix * oh1, axis=-1, keepdims=True).astype(jnp.int32)
    r2_ref[...] = jnp.sum(prefix * oh2, axis=-1, keepdims=True).astype(jnp.int32)

    tile_cnt = jnp.sum(oh12, axis=0, keepdims=True).astype(jnp.int32)

    @pl.when(t == 0)
    def _():
        cnt_ref[...] = tile_cnt

    @pl.when(t != 0)
    def _():
        cnt_ref[...] += tile_cnt


def _router(xf, Wr, rb2):
    return pl.pallas_call(
        _router_kernel,
        grid=(T // TM,),
        in_specs=[
            pl.BlockSpec((TM, D), lambda t: (t, 0)),
            pl.BlockSpec((D, E), lambda t: (0, 0)),
            pl.BlockSpec((1, E), lambda t: (0, 0)),
        ],
        out_specs=[
            pl.BlockSpec((TM, 1), lambda t: (t, 0)),
            pl.BlockSpec((TM, 1), lambda t: (t, 0)),
            pl.BlockSpec((TM, 1), lambda t: (t, 0)),
            pl.BlockSpec((TM, 1), lambda t: (t, 0)),
            pl.BlockSpec((TM, 1), lambda t: (t, 0)),
            pl.BlockSpec((TM, 1), lambda t: (t, 0)),
            pl.BlockSpec((1, E), lambda t: (0, 0)),
        ],
        out_shape=[
            jax.ShapeDtypeStruct((T, 1), jnp.int32),
            jax.ShapeDtypeStruct((T, 1), jnp.int32),
            jax.ShapeDtypeStruct((T, 1), jnp.float32),
            jax.ShapeDtypeStruct((T, 1), jnp.float32),
            jax.ShapeDtypeStruct((T, 1), jnp.int32),
            jax.ShapeDtypeStruct((T, 1), jnp.int32),
            jax.ShapeDtypeStruct((1, E), jnp.int32),
        ],
        compiler_params=pltpu.CompilerParams(
            dimension_semantics=("arbitrary",),
        ),
    )(xf, Wr, rb2)


def _shared_kernel(x_ref, Ws1_ref, Ws2_ref, sh_ref):
    xt = x_ref[...]
    hs = jnp.dot(xt, Ws1_ref[...], preferred_element_type=jnp.float32)
    hs = hs * jax.nn.sigmoid(hs)
    sh_ref[...] = jnp.dot(hs, Ws2_ref[...], preferred_element_type=jnp.float32)


def _shared_ffn(xf, Ws1, Ws2):
    return pl.pallas_call(
        _shared_kernel,
        grid=(T // TM,),
        in_specs=[
            pl.BlockSpec((TM, D), lambda t: (t, 0)),
            pl.BlockSpec((D, F), lambda t: (0, 0)),
            pl.BlockSpec((F, D), lambda t: (0, 0)),
        ],
        out_specs=pl.BlockSpec((TM, D), lambda t: (t, 0)),
        out_shape=jax.ShapeDtypeStruct((T, D), jnp.float32),
        compiler_params=pltpu.CompilerParams(
            dimension_semantics=("arbitrary",),
        ),
    )(xf, Ws1, Ws2)


def _sc_dispatch(xf, p1m, p2m):
    mesh = plsc.VectorSubcoreMesh(core_axis_name="c", subcore_axis_name="s")

    @functools.partial(
        pl.kernel,
        out_type=jax.ShapeDtypeStruct((P, D), jnp.float32),
        mesh=mesh,
        scratch_types=[
            pltpu.VMEM((TPW,), jnp.int32),
            pltpu.VMEM((TPW,), jnp.int32),
            pltpu.VMEM((TPW, D), jnp.float32),
            pltpu.SemaphoreType.DMA,
            pltpu.SemaphoreType.DMA,
            pltpu.SemaphoreType.DMA,
        ],
    )
    def k(x_hbm, p1_hbm, p2_hbm, o_hbm, i1_v, i2_v, rows_v, s0, s1, s2):
        wid = jax.lax.axis_index("s") * NC + jax.lax.axis_index("c")
        c1 = pltpu.async_copy(p1_hbm.at[wid], i1_v, s0)
        c2 = pltpu.async_copy(p2_hbm.at[wid], i2_v, s1)
        cr = pltpu.async_copy(x_hbm.at[pl.ds(wid * TPW, TPW)], rows_v, s2)
        c1.wait()
        c2.wait()
        cr.wait()
        w1 = pltpu.async_copy(rows_v, o_hbm.at[i1_v], s0)
        w2 = pltpu.async_copy(rows_v, o_hbm.at[i2_v], s1)
        w1.wait()
        w2.wait()

    return k(xf, p1m, p2m)


def _sc_gather(table, idx, n_rows, gw):
    d = table.shape[1]
    b_per_w = n_rows // NW
    chunks = b_per_w // gw
    assert chunks * gw == b_per_w
    mesh = plsc.VectorSubcoreMesh(core_axis_name="c", subcore_axis_name="s")

    @functools.partial(
        pl.kernel,
        out_type=jax.ShapeDtypeStruct((n_rows, d), table.dtype),
        mesh=mesh,
        scratch_types=[
            pltpu.VMEM((b_per_w,), jnp.int32),
            pltpu.VMEM((gw, d), table.dtype),
            pltpu.VMEM((gw, d), table.dtype),
            pltpu.SemaphoreType.DMA,
            pltpu.SemaphoreType.DMA,
            pltpu.SemaphoreType.DMA,
            pltpu.SemaphoreType.DMA,
        ],
    )
    def k(x_hbm, i_hbm, o_hbm, idx_v, r0, r1, gs0, gs1, ss0, ss1):
        wid = jax.lax.axis_index("s") * NC + jax.lax.axis_index("c")
        base = wid * b_per_w
        pltpu.sync_copy(i_hbm.at[pl.ds(base, b_per_w)], idx_v)
        bufs, gsem, ssem = [r0, r1], [gs0, gs1], [ss0, ss1]
        gh = [None] * chunks
        sh = [None] * chunks
        for j in range(chunks):
            b = j % 2
            if j >= 2:
                sh[j - 2].wait()
            gh[j] = pltpu.async_copy(
                x_hbm.at[idx_v.at[pl.ds(j * gw, gw)]], bufs[b], gsem[b])
            if j >= 1:
                gh[j - 1].wait()
                sh[j - 1] = pltpu.async_copy(
                    bufs[(j - 1) % 2],
                    o_hbm.at[pl.ds(base + (j - 1) * gw, gw)],
                    ssem[(j - 1) % 2])
        gh[chunks - 1].wait()
        sh[chunks - 1] = pltpu.async_copy(
            bufs[(chunks - 1) % 2],
            o_hbm.at[pl.ds(base + (chunks - 1) * gw, gw)],
            ssem[(chunks - 1) % 2])
        for j in range(max(0, chunks - 2), chunks):
            sh[j].wait()

    return k(table, idx)


def _grouped_ffn_kernel(s_ref, x_ref, W1_ref, W2_ref, y_ref):
    g = pl.program_id(0)

    @pl.when(s_ref[2, g] == 1)
    def _():
        xt = x_ref[...]
        h = jnp.dot(xt, W1_ref[0], preferred_element_type=jnp.float32)
        h = h * jax.nn.sigmoid(h)
        y_ref[...] = jnp.dot(h, W2_ref[0], preferred_element_type=jnp.float32)


def _grouped_ffn(x_sorted, W1, W2, meta):
    grid_spec = pltpu.PrefetchScalarGridSpec(
        num_scalar_prefetch=1,
        grid=(G,),
        in_specs=[
            pl.BlockSpec((TR, D), lambda g, s: (s[0, g], 0)),
            pl.BlockSpec((1, D, F), lambda g, s: (s[1, g], 0, 0)),
            pl.BlockSpec((1, F, D), lambda g, s: (s[1, g], 0, 0)),
        ],
        out_specs=pl.BlockSpec((TR, D), lambda g, s: (s[0, g], 0)),
    )
    return pl.pallas_call(
        _grouped_ffn_kernel,
        grid_spec=grid_spec,
        out_shape=jax.ShapeDtypeStruct((P, D), jnp.float32),
        compiler_params=pltpu.CompilerParams(
            dimension_semantics=("arbitrary",),
        ),
    )(meta, x_sorted, W1, W2)


def _combine_kernel(sh_ref, w1_ref, w2_ref, ya_ref, yb_ref, o_ref):
    o_ref[...] = (sh_ref[...] + w1_ref[...] * ya_ref[...]
                  + w2_ref[...] * yb_ref[...])


def _combine(shared, w1, w2, y12):
    return pl.pallas_call(
        _combine_kernel,
        grid=(T // TM,),
        in_specs=[
            pl.BlockSpec((TM, D), lambda t: (t, 0)),
            pl.BlockSpec((TM, 1), lambda t: (t, 0)),
            pl.BlockSpec((TM, 1), lambda t: (t, 0)),
            pl.BlockSpec((TM, D), lambda t: (t, 0)),
            pl.BlockSpec((TM, D), lambda t: (t + T // TM, 0)),
        ],
        out_specs=pl.BlockSpec((TM, D), lambda t: (t, 0)),
        out_shape=jax.ShapeDtypeStruct((T, D), jnp.float32),
        compiler_params=pltpu.CompilerParams(
            dimension_semantics=("parallel",),
        ),
    )(shared, w1, w2, y12, y12)


def kernel(x, Ws1, Ws2, W1, W2, Wr, rb):
    b, s, d = x.shape
    xf = x.reshape(s, d)
    rb2 = rb.reshape(1, E)

    i1, i2, w1, w2, r1, r2, cnt = _router(xf, Wr, rb2)
    shared = _shared_ffn(xf, Ws1, Ws2)

    counts = cnt.reshape(E)
    tiles_e = (counts + TR - 1) // TR
    cum_tiles = jnp.cumsum(tiles_e)
    total_tiles = cum_tiles[-1]
    seg_start = (cum_tiles - tiles_e) * TR

    er = jnp.arange(E, dtype=jnp.int32)[None, :]
    pos1 = jnp.sum(jnp.where(i1 == er, seg_start[None, :], 0), axis=1) + r1[:, 0]
    pos2 = jnp.sum(jnp.where(i2 == er, seg_start[None, :], 0), axis=1) + r2[:, 0]

    ga = jnp.arange(G, dtype=jnp.int32)
    gg = jnp.minimum(ga, total_tiles - 1)
    eidp = jnp.sum((gg[:, None] >= cum_tiles[None, :]).astype(jnp.int32), axis=1)
    vld = (ga < total_tiles).astype(jnp.int32)
    meta = jnp.stack([gg, eidp, vld], axis=0)

    p1m = pos1.reshape(NW, TPW)
    p2m = pos2.reshape(NW, TPW)
    p12 = jnp.concatenate([pos1, pos2], axis=0)

    x_sorted = _sc_dispatch(xf, p1m, p2m)
    y = _grouped_ffn(x_sorted, W1, W2, meta)
    y12 = _sc_gather(y, p12, T * K, 32)
    out = _combine(shared, w1, w2, y12)

    return out.reshape(b, s, d), counts

# --- scband reference (transcript-rebuilt; emitter-appended) ---
"""Pipeline reference for scband-mo-elayer-58222576665017 (READ-ONLY COPY).

The authoritative reference and input builder live on the scoring server;
editing this copy changes nothing except your own understanding.
"""

import jax, jax.numpy as jnp
import numpy as np

B, S, D_MODEL = 1, 2048, 1024
D_FF = 1024
E = 8
K = 2
N_SHARED = 1


def setup_inputs(seed: int = 0) -> dict:
    key = jax.random.key(seed)
    ks = jax.random.split(key, 7)
    x = jax.random.normal(ks[0], (B, S, D_MODEL), dtype=jnp.float32)
    Ws1 = jax.random.normal(ks[1], (D_MODEL, D_FF), dtype=jnp.float32) * 0.02
    Ws2 = jax.random.normal(ks[2], (D_FF, D_MODEL), dtype=jnp.float32) * 0.02
    W1 = jax.random.normal(ks[3], (E, D_MODEL, D_FF), dtype=jnp.float32) * 0.02
    W2 = jax.random.normal(ks[4], (E, D_FF, D_MODEL), dtype=jnp.float32) * 0.02
    Wr = jax.random.normal(ks[5], (D_MODEL, E), dtype=jnp.float32) * 0.02
    rb = jnp.zeros((E,), dtype=jnp.float32)
    return {"x": x, "Ws1": Ws1, "Ws2": Ws2, "W1": W1, "W2": W2, "Wr": Wr, "rb": rb}


def reference(x, Ws1, Ws2, W1, W2, Wr, rb):
    b, s, d = x.shape
    # ---- shared experts (always active); n_shared = 1, averaged ----
    h_s = jax.nn.silu(jnp.einsum('bsd,df->bsf', x, Ws1))
    shared = jnp.einsum('bsf,fd->bsd', h_s, Ws2)
    shared = shared / N_SHARED
    # ---- router: aux-loss-free load balancing (bias added only for selection) ----
    xf = x.reshape(-1, d)
    logits = xf @ Wr
    scores = jax.nn.softmax(logits, axis=-1)
    sel_scores = scores + rb[None, :]
    _, top_idx = jax.lax.top_k(sel_scores, K)          # [T, K] int
    gathered = jnp.take_along_axis(scores, top_idx, axis=-1)  # original scores
    weights = gathered / (jnp.sum(gathered, axis=-1, keepdims=True) + 1e-9)
    expert_counts = jnp.bincount(top_idx.reshape(-1), length=E)
    # ---- routed experts: dense masked dispatch (math-equivalent to gather/scatter) ----
    routed = jnp.zeros_like(xf)
    for e in range(E):
        w_e = jnp.sum(jnp.where(top_idx == e, weights, 0.0), axis=-1)  # [T]
        h = jax.nn.silu(xf @ W1[e])
        out_e = h @ W2[e]
        routed = routed + out_e * w_e[:, None]
    out = shared + routed.reshape(b, s, d)
    return out, expert_counts

if __name__ == "__main__":
    import jax
    _d = setup_inputs()
    print(jax.jit(kernel)(*tuple(_d.values())))

</pallas_src>

<mosaic_0001>
#map = affine_map<(d0, d1) -> (0, 0)>
#map1 = affine_map<(d0, d1) -> (0)>
module attributes {stable_mosaic.version = 14 : i64} {
  func.func @k(%arg0: i32, %arg1: i32, %arg2: memref<6144x1024xf32, #tpu.memory_space<hbm>>, %arg3: memref<4096xi32, #tpu.memory_space<hbm>>, %arg4: memref<4096x1024xf32, #tpu.memory_space<hbm>>, %arg5: memref<128xi32, #tpu.memory_space<vmem>>, %arg6: memref<32x1024xf32, #tpu.memory_space<vmem>>, %arg7: memref<32x1024xf32, #tpu.memory_space<vmem>>, %arg8: memref<!tpu.dma_semaphore, #tpu.memory_space<semaphore_mem>>, %arg9: memref<!tpu.dma_semaphore, #tpu.memory_space<semaphore_mem>>, %arg10: memref<!tpu.dma_semaphore, #tpu.memory_space<semaphore_mem>>, %arg11: memref<!tpu.dma_semaphore, #tpu.memory_space<semaphore_mem>>) attributes {dimension_semantics = [#tpu.dimension_semantics<core_parallel>, #tpu.dimension_semantics<subcore_parallel>], iteration_bounds = array<i64: 2, 16>, scalar_prefetch = 0 : i64, scratch_operands = 7 : i64, tpu.core_type = #tpu.core_type<sc_vector_subcore>, window_params = [{transform_indices = #map}, {transform_indices = #map1}, {transform_indices = #map}]} {
    %mul3A = arith.constant 2 : i32
    %mul3A_0 = arith.muli %arg1, %mul3A : i32
    %add3A = arith.addi %mul3A_0, %arg0 : i32
    %mul3A_1 = arith.constant 128 : i32
    %mul3A_2 = arith.muli %add3A, %mul3A_1 : i32
    "tpu.region"() ({
      %run_scoped3A = tpu.sem_alloc : memref<!tpu.dma_semaphore, #tpu.memory_space<semaphore_mem>>
      %dma_start3A_81 = tpu.memref_slice %arg3[%mul3A_2] : memref<4096xi32, #tpu.memory_space<hbm>> -> memref<128xi32, #tpu.memory_space<hbm>>
      %dma_start3A_82 = tpu.memref_slice %arg3[%mul3A_2] : memref<4096xi32, #tpu.memory_space<hbm>> -> memref<128xi32, #tpu.memory_space<hbm>>
      tpu.enqueue_dma source(%dma_start3A_82 : memref<128xi32, #tpu.memory_space<hbm>>) target(%arg5 : memref<128xi32, #tpu.memory_space<vmem>>) target_semaphore(%run_scoped3A : memref<!tpu.dma_semaphore, #tpu.memory_space<semaphore_mem>>)
      %dma_wait3A_83 = tpu.memref_slice %arg3[%mul3A_2] : memref<4096xi32, #tpu.memory_space<hbm>> -> memref<128xi32, #tpu.memory_space<hbm>>
      %dma_wait3A_84 = tpu.memref_slice %arg3[%mul3A_2] : memref<4096xi32, #tpu.memory_space<hbm>> -> memref<128xi32, #tpu.memory_space<hbm>>
      tpu.wait_dma2 semaphore(%run_scoped3A : memref<!tpu.dma_semaphore, #tpu.memory_space<semaphore_mem>>) src(%dma_wait3A_84 : memref<128xi32, #tpu.memory_space<hbm>>) dst(%arg5 : memref<128xi32, #tpu.memory_space<vmem>>)
      tpu.yield
    }) : () -> ()
    %dma_start3A = arith.constant 0 : i32
    %dma_start3A_3 = tpu.memref_slice %arg5[%dma_start3A] : memref<128xi32, #tpu.memory_space<vmem>> -> memref<32xi32, #tpu.memory_space<vmem>>
    %dma_start3A_4 = arith.constant 0 : i32
    %dma_start3A_5 = arith.constant 0 : i32
    %dma_start3A_6 = tpu.memref_slice %arg2[%dma_start3A_4, %dma_start3A_5] : memref<6144x1024xf32, #tpu.memory_space<hbm>> -> memref<6144x1024xf32, #tpu.memory_space<hbm>>
    tpu.enqueue_indirect_dma source(%dma_start3A_6 : memref<6144x1024xf32, #tpu.memory_space<hbm>>) target(%arg6 : memref<32x1024xf32, #tpu.memory_space<vmem>>) offsets(%dma_start3A_3 : memref<32xi32, #tpu.memory_space<vmem>>) semaphore(%arg8 : memref<!tpu.dma_semaphore, #tpu.memory_space<semaphore_mem>>)
    %dma_start3A_7 = arith.constant 32 : i32
    %dma_start3A_8 = tpu.memref_slice %arg5[%dma_start3A_7] : memref<128xi32, #tpu.memory_space<vmem>> -> memref<32xi32, #tpu.memory_space<vmem>>
    %dma_start3A_9 = arith.constant 0 : i32
    %dma_start3A_10 = arith.constant 0 : i32
    %dma_start3A_11 = tpu.memref_slice %arg2[%dma_start3A_9, %dma_start3A_10] : memref<6144x1024xf32, #tpu.memory_space<hbm>> -> memref<6144x1024xf32, #tpu.memory_space<hbm>>
    tpu.enqueue_indirect_dma source(%dma_start3A_11 : memref<6144x1024xf32, #tpu.memory_space<hbm>>) target(%arg7 : memref<32x1024xf32, #tpu.memory_space<vmem>>) offsets(%dma_start3A_8 : memref<32xi32, #tpu.memory_space<vmem>>) semaphore(%arg9 : memref<!tpu.dma_semaphore, #tpu.memory_space<semaphore_mem>>)
    %dma_wait3A = arith.constant 0 : i32
    %dma_wait3A_12 = tpu.memref_slice %arg5[%dma_wait3A] : memref<128xi32, #tpu.memory_space<vmem>> -> memref<32xi32, #tpu.memory_space<vmem>>
    %dma_wait3A_13 = arith.constant 0 : i32
    %dma_wait3A_14 = arith.constant 0 : i32
    %dma_wait3A_15 = tpu.memref_slice %arg2[%dma_wait3A_13, %dma_wait3A_14] : memref<6144x1024xf32, #tpu.memory_space<hbm>> -> memref<6144x1024xf32, #tpu.memory_space<hbm>>
    tpu.wait_indirect_dma semaphore(%arg8 : memref<!tpu.dma_semaphore, #tpu.memory_space<semaphore_mem>>) src(%dma_wait3A_15 : memref<6144x1024xf32, #tpu.memory_space<hbm>>) dst(%arg6 : memref<32x1024xf32, #tpu.memory_space<vmem>>)
    %add3A_16 = arith.constant 0 : i32
    %add3A_17 = arith.addi %mul3A_2, %add3A_16 : i32
    %dma_start3A_18 = arith.constant 0 : i32
    %dma_start3A_19 = tpu.memref_slice %arg4[%add3A_17, %dma_start3A_18] : memref<4096x1024xf32, #tpu.memory_space<hbm>> -> memref<32x1024xf32, #tpu.memory_space<hbm>>
    %dma_start3A_20 = arith.constant 0 : i32
    %dma_start3A_21 = tpu.memref_slice %arg4[%add3A_17, %dma_start3A_20] : memref<4096x1024xf32, #tpu.memory_space<hbm>> -> memref<32x1024xf32, #tpu.memory_space<hbm>>
    tpu.enqueue_dma source(%arg6 : memref<32x1024xf32, #tpu.memory_space<vmem>>) target(%dma_start3A_21 : memref<32x1024xf32, #tpu.memory_space<hbm>>) target_semaphore(%arg10 : memref<!tpu.dma_semaphore, #tpu.memory_space<semaphore_mem>>)
    %dma_wait3A_22 = arith.constant 0 : i32
    %dma_wait3A_23 = tpu.memref_slice %arg4[%add3A_17, %dma_wait3A_22] : memref<4096x1024xf32, #tpu.memory_space<hbm>> -> memref<32x1024xf32, #tpu.memory_space<hbm>>
    %dma_wait3A_24 = arith.constant 0 : i32
    %dma_wait3A_25 = tpu.memref_slice %arg4[%add3A_17, %dma_wait3A_24] : memref<4096x1024xf32, #tpu.memory_space<hbm>> -> memref<32x1024xf32, #tpu.memory_space<hbm>>
    tpu.wait_dma2 semaphore(%arg10 : memref<!tpu.dma_semaphore, #tpu.memory_space<semaphore_mem>>) src(%arg6 : memref<32x1024xf32, #tpu.memory_space<vmem>>) dst(%dma_wait3A_25 : memref<32x1024xf32, #tpu.memory_space<hbm>>)
    %dma_start3A_26 = arith.constant 64 : i32
    %dma_start3A_27 = tpu.memref_slice %arg5[%dma_start3A_26] : memref<128xi32, #tpu.memory_space<vmem>> -> memref<32xi32, #tpu.memory_space<vmem>>
    %dma_start3A_28 = arith.constant 0 : i32
    %dma_start3A_29 = arith.constant 0 : i32
    %dma_start3A_30 = tpu.memref_slice %arg2[%dma_start3A_28, %dma_start3A_29] : memref<6144x1024xf32, #tpu.memory_space<hbm>> -> memref<6144x1024xf32, #tpu.memory_space<hbm>>
    tpu.enqueue_indirect_dma source(%dma_start3A_30 : memref<6144x1024xf32, #tpu.memory_space<hbm>>) target(%arg6 : memref<32x1024xf32, #tpu.memory_space<vmem>>) offsets(%dma_start3A_27 : memref<32xi32, #tpu.memory_space<vmem>>) semaphore(%arg8 : memref<!tpu.dma_semaphore, #tpu.memory_space<semaphore_mem>>)
    %dma_wait3A_31 = arith.constant 32 : i32
    %dma_wait3A_32 = tpu.memref_slice %arg5[%dma_wait3A_31] : memref<128xi32, #tpu.memory_space<vmem>> -> memref<32xi32, #tpu.memory_space<vmem>>
    %dma_wait3A_33 = arith.constant 0 : i32
    %dma_wait3A_34 = arith.constant 0 : i32
    %dma_wait3A_35 = tpu.memref_slice %arg2[%dma_wait3A_33, %dma_wait3A_34] : memref<6144x1024xf32, #tpu.memory_space<hbm>> -> memref<6144x1024xf32, #tpu.memory_space<hbm>>
    tpu.wait_indirect_dma semaphore(%arg9 : memref<!tpu.dma_semaphore, #tpu.memory_space<semaphore_mem>>) src(%dma_wait3A_35 : memref<6144x1024xf32, #tpu.memory_space<hbm>>) dst(%arg7 : memref<32x1024xf32, #tpu.memory_space<vmem>>)
    %add3A_36 = arith.constant 32 : i32
    %add3A_37 = arith.addi %mul3A_2, %add3A_36 : i32
    %dma_start3A_38 = arith.constant 0 : i32
    %dma_start3A_39 = tpu.memref_slice %arg4[%add3A_37, %dma_start3A_38] : memref<4096x1024xf32, #tpu.memory_space<hbm>> -> memref<32x1024xf32, #tpu.memory_space<hbm>>
    %dma_start3A_40 = arith.constant 0 : i32
    %dma_start3A_41 = tpu.memref_slice %arg4[%add3A_37, %dma_start3A_40] : memref<4096x1024xf32, #tpu.memory_space<hbm>> -> memref<32x1024xf32, #tpu.memory_space<hbm>>
    tpu.enqueue_dma source(%arg7 : memref<32x1024xf32, #tpu.memory_space<vmem>>) target(%dma_start3A_41 : memref<32x1024xf32, #tpu.memory_space<hbm>>) target_semaphore(%arg11 : memref<!tpu.dma_semaphore, #tpu.memory_space<semaphore_mem>>)
    %dma_wait3A_42 = arith.constant 0 : i32
    %dma_wait3A_43 = tpu.memref_slice %arg4[%add3A_37, %dma_wait3A_42] : memref<4096x1024xf32, #tpu.memory_space<hbm>> -> memref<32x1024xf32, #tpu.memory_space<hbm>>
    %dma_wait3A_44 = arith.constant 0 : i32
    %dma_wait3A_45 = tpu.memref_slice %arg4[%add3A_37, %dma_wait3A_44] : memref<4096x1024xf32, #tpu.memory_space<hbm>> -> memref<32x1024xf32, #tpu.memory_space<hbm>>
    tpu.wait_dma2 semaphore(%arg11 : memref<!tpu.dma_semaphore, #tpu.memory_space<semaphore_mem>>) src(%arg7 : memref<32x1024xf32, #tpu.memory_space<vmem>>) dst(%dma_wait3A_45 : memref<32x1024xf32, #tpu.memory_space<hbm>>)
    %dma_start3A_46 = arith.constant 96 : i32
    %dma_start3A_47 = tpu.memref_slice %arg5[%dma_start3A_46] : memref<128xi32, #tpu.memory_space<vmem>> -> memref<32xi32, #tpu.memory_space<vmem>>
    %dma_start3A_48 = arith.constant 0 : i32
    %dma_start3A_49 = arith.constant 0 : i32
    %dma_start3A_50 = tpu.memref_slice %arg2[%dma_start3A_48, %dma_start3A_49] : memref<6144x1024xf32, #tpu.memory_space<hbm>> -> memref<6144x1024xf32, #tpu.memory_space<hbm>>
    tpu.enqueue_indirect_dma source(%dma_start3A_50 : memref<6144x1024xf32, #tpu.memory_space<hbm>>) target(%arg7 : memref<32x1024xf32, #tpu.memory_space<vmem>>) offsets(%dma_start3A_47 : memref<32xi32, #tpu.memory_space<vmem>>) semaphore(%arg9 : memref<!tpu.dma_semaphore, #tpu.memory_space<semaphore_mem>>)
    %dma_wait3A_51 = arith.constant 64 : i32
    %dma_wait3A_52 = tpu.memref_slice %arg5[%dma_wait3A_51] : memref<128xi32, #tpu.memory_space<vmem>> -> memref<32xi32, #tpu.memory_space<vmem>>
    %dma_wait3A_53 = arith.constant 0 : i32
    %dma_wait3A_54 = arith.constant 0 : i32
    %dma_wait3A_55 = tpu.memref_slice %arg2[%dma_wait3A_53, %dma_wait3A_54] : memref<6144x1024xf32, #tpu.memory_space<hbm>> -> memref<6144x1024xf32, #tpu.memory_space<hbm>>
    tpu.wait_indirect_dma semaphore(%arg8 : memref<!tpu.dma_semaphore, #tpu.memory_space<semaphore_mem>>) src(%dma_wait3A_55 : memref<6144x1024xf32, #tpu.memory_space<hbm>>) dst(%arg6 : memref<32x1024xf32, #tpu.memory_space<vmem>>)
    %add3A_56 = arith.constant 64 : i32
    %add3A_57 = arith.addi %mul3A_2, %add3A_56 : i32
    %dma_start3A_58 = arith.constant 0 : i32
    %dma_start3A_59 = tpu.memref_slice %arg4[%add3A_57, %dma_start3A_58] : memref<4096x1024xf32, #tpu.memory_space<hbm>> -> memref<32x1024xf32, #tpu.memory_space<hbm>>
    %dma_start3A_60 = arith.constant 0 : i32
    %dma_start3A_61 = tpu.memref_slice %arg4[%add3A_57, %dma_start3A_60] : memref<4096x1024xf32, #tpu.memory_space<hbm>> -> memref<32x1024xf32, #tpu.memory_space<hbm>>
    tpu.enqueue_dma source(%arg6 : memref<32x1024xf32, #tpu.memory_space<vmem>>) target(%dma_start3A_61 : memref<32x1024xf32, #tpu.memory_space<hbm>>) target_semaphore(%arg10 : memref<!tpu.dma_semaphore, #tpu.memory_space<semaphore_mem>>)
    %dma_wait3A_62 = arith.constant 96 : i32
    %dma_wait3A_63 = tpu.memref_slice %arg5[%dma_wait3A_62] : memref<128xi32, #tpu.memory_space<vmem>> -> memref<32xi32, #tpu.memory_space<vmem>>
    %dma_wait3A_64 = arith.constant 0 : i32
    %dma_wait3A_65 = arith.constant 0 : i32
    %dma_wait3A_66 = tpu.memref_slice %arg2[%dma_wait3A_64, %dma_wait3A_65] : memref<6144x1024xf32, #tpu.memory_space<hbm>> -> memref<6144x1024xf32, #tpu.memory_space<hbm>>
    tpu.wait_indirect_dma semaphore(%arg9 : memref<!tpu.dma_semaphore, #tpu.memory_space<semaphore_mem>>) src(%dma_wait3A_66 : memref<6144x1024xf32, #tpu.memory_space<hbm>>) dst(%arg7 : memref<32x1024xf32, #tpu.memory_space<vmem>>)
    %add3A_67 = arith.constant 96 : i32
    %add3A_68 = arith.addi %mul3A_2, %add3A_67 : i32
    %dma_start3A_69 = arith.constant 0 : i32
    %dma_start3A_70 = tpu.memref_slice %arg4[%add3A_68, %dma_start3A_69] : memref<4096x1024xf32, #tpu.memory_space<hbm>> -> memref<32x1024xf32, #tpu.memory_space<hbm>>
    %dma_start3A_71 = arith.constant 0 : i32
    %dma_start3A_72 = tpu.memref_slice %arg4[%add3A_68, %dma_start3A_71] : memref<4096x1024xf32, #tpu.memory_space<hbm>> -> memref<32x1024xf32, #tpu.memory_space<hbm>>
    tpu.enqueue_dma source(%arg7 : memref<32x1024xf32, #tpu.memory_space<vmem>>) target(%dma_start3A_72 : memref<32x1024xf32, #tpu.memory_space<hbm>>) target_semaphore(%arg11 : memref<!tpu.dma_semaphore, #tpu.memory_space<semaphore_mem>>)
    %dma_wait3A_73 = arith.constant 0 : i32
    %dma_wait3A_74 = tpu.memref_slice %arg4[%add3A_57, %dma_wait3A_73] : memref<4096x1024xf32, #tpu.memory_space<hbm>> -> memref<32x1024xf32, #tpu.memory_space<hbm>>
    %dma_wait3A_75 = arith.constant 0 : i32
    %dma_wait3A_76 = tpu.memref_slice %arg4[%add3A_57, %dma_wait3A_75] : memref<4096x1024xf32, #tpu.memory_space<hbm>> -> memref<32x1024xf32, #tpu.memory_space<hbm>>
    tpu.wait_dma2 semaphore(%arg10 : memref<!tpu.dma_semaphore, #tpu.memory_space<semaphore_mem>>) src(%arg6 : memref<32x1024xf32, #tpu.memory_space<vmem>>) dst(%dma_wait3A_76 : memref<32x1024xf32, #tpu.memory_space<hbm>>)
    %dma_wait3A_77 = arith.constant 0 : i32
    %dma_wait3A_78 = tpu.memref_slice %arg4[%add3A_68, %dma_wait3A_77] : memref<4096x1024xf32, #tpu.memory_space<hbm>> -> memref<32x1024xf32, #tpu.memory_space<hbm>>
    %dma_wait3A_79 = arith.constant 0 : i32
    %dma_wait3A_80 = tpu.memref_slice %arg4[%add3A_68, %dma_wait3A_79] : memref<4096x1024xf32, #tpu.memory_space<hbm>> -> memref<32x1024xf32, #tpu.memory_space<hbm>>
    tpu.wait_dma2 semaphore(%arg11 : memref<!tpu.dma_semaphore, #tpu.memory_space<semaphore_mem>>) src(%arg7 : memref<32x1024xf32, #tpu.memory_space<vmem>>) dst(%dma_wait3A_80 : memref<32x1024xf32, #tpu.memory_space<hbm>>)
    return
  }
}

#map = affine_map<(d0, d1) -> (0, 0)>
module attributes {stable_mosaic.version = 14 : i64} {
  func.func @k(%arg0: i32, %arg1: i32, %arg2: memref<2048x1024xf32, #tpu.memory_space<hbm>>, %arg3: memref<32x64xi32, #tpu.memory_space<hbm>>, %arg4: memref<32x64xi32, #tpu.memory_space<hbm>>, %arg5: memref<6144x1024xf32, #tpu.memory_space<hbm>>, %arg6: memref<64xi32, #tpu.memory_space<vmem>>, %arg7: memref<64xi32, #tpu.memory_space<vmem>>, %arg8: memref<64x1024xf32, #tpu.memory_space<vmem>>, %arg9: memref<!tpu.dma_semaphore, #tpu.memory_space<semaphore_mem>>, %arg10: memref<!tpu.dma_semaphore, #tpu.memory_space<semaphore_mem>>, %arg11: memref<!tpu.dma_semaphore, #tpu.memory_space<semaphore_mem>>) attributes {dimension_semantics = [#tpu.dimension_semantics<core_parallel>, #tpu.dimension_semantics<subcore_parallel>], iteration_bounds = array<i64: 2, 16>, scalar_prefetch = 0 : i64, scratch_operands = 6 : i64, tpu.core_type = #tpu.core_type<sc_vector_subcore>, window_params = [{transform_indices = #map}, {transform_indices = #map}, {transform_indices = #map}, {transform_indices = #map}]} {
    %mul3A = arith.constant 2 : i32
    %mul3A_0 = arith.muli %arg1, %mul3A : i32
    %add3A = arith.addi %mul3A_0, %arg0 : i32
    %dma_start3A = arith.constant 0 : i32
    %dma_start3A_1 = tpu.memref_slice %arg3[%add3A, %dma_start3A] : memref<32x64xi32, #tpu.memory_space<hbm>> -> memref<1x64xi32, #tpu.memory_space<hbm>>
    %dma_start3A_2 = tpu.memref_squeeze %dma_start3A_1 : memref<1x64xi32, #tpu.memory_space<hbm>> -> memref<64xi32, #tpu.memory_space<hbm>>
    %dma_start3A_3 = arith.constant 0 : i32
    %dma_start3A_4 = tpu.memref_slice %arg3[%add3A, %dma_start3A_3] : memref<32x64xi32, #tpu.memory_space<hbm>> -> memref<1x64xi32, #tpu.memory_space<hbm>>
    %dma_start3A_5 = tpu.memref_squeeze %dma_start3A_4 : memref<1x64xi32, #tpu.memory_space<hbm>> -> memref<64xi32, #tpu.memory_space<hbm>>
    tpu.enqueue_dma source(%dma_start3A_5 : memref<64xi32, #tpu.memory_space<hbm>>) target(%arg6 : memref<64xi32, #tpu.memory_space<vmem>>) target_semaphore(%arg9 : memref<!tpu.dma_semaphore, #tpu.memory_space<semaphore_mem>>)
    %dma_start3A_6 = arith.constant 0 : i32
    %dma_start3A_7 = tpu.memref_slice %arg4[%add3A, %dma_start3A_6] : memref<32x64xi32, #tpu.memory_space<hbm>> -> memref<1x64xi32, #tpu.memory_space<hbm>>
    %dma_start3A_8 = tpu.memref_squeeze %dma_start3A_7 : memref<1x64xi32, #tpu.memory_space<hbm>> -> memref<64xi32, #tpu.memory_space<hbm>>
    %dma_start3A_9 = arith.constant 0 : i32
    %dma_start3A_10 = tpu.memref_slice %arg4[%add3A, %dma_start3A_9] : memref<32x64xi32, #tpu.memory_space<hbm>> -> memref<1x64xi32, #tpu.memory_space<hbm>>
    %dma_start3A_11 = tpu.memref_squeeze %dma_start3A_10 : memref<1x64xi32, #tpu.memory_space<hbm>> -> memref<64xi32, #tpu.memory_space<hbm>>
    tpu.enqueue_dma source(%dma_start3A_11 : memref<64xi32, #tpu.memory_space<hbm>>) target(%arg7 : memref<64xi32, #tpu.memory_space<vmem>>) target_semaphore(%arg10 : memref<!tpu.dma_semaphore, #tpu.memory_space<semaphore_mem>>)
    %mul3A_12 = arith.constant 64 : i32
    %mul3A_13 = arith.muli %add3A, %mul3A_12 : i32
    %dma_start3A_14 = arith.constant 0 : i32
    %dma_start3A_15 = tpu.memref_slice %arg2[%mul3A_13, %dma_start3A_14] : memref<2048x1024xf32, #tpu.memory_space<hbm>> -> memref<64x1024xf32, #tpu.memory_space<hbm>>
    %dma_start3A_16 = arith.constant 0 : i32
    %dma_start3A_17 = tpu.memref_slice %arg2[%mul3A_13, %dma_start3A_16] : memref<2048x1024xf32, #tpu.memory_space<hbm>> -> memref<64x1024xf32, #tpu.memory_space<hbm>>
    tpu.enqueue_dma source(%dma_start3A_17 : memref<64x1024xf32, #tpu.memory_space<hbm>>) target(%arg8 : memref<64x1024xf32, #tpu.memory_space<vmem>>) target_semaphore(%arg11 : memref<!tpu.dma_semaphore, #tpu.memory_space<semaphore_mem>>)
    %dma_wait3A = arith.constant 0 : i32
    %dma_wait3A_18 = tpu.memref_slice %arg3[%add3A, %dma_wait3A] : memref<32x64xi32, #tpu.memory_space<hbm>> -> memref<1x64xi32, #tpu.memory_space<hbm>>
    %dma_wait3A_19 = tpu.memref_squeeze %dma_wait3A_18 : memref<1x64xi32, #tpu.memory_space<hbm>> -> memref<64xi32, #tpu.memory_space<hbm>>
    %dma_wait3A_20 = arith.constant 0 : i32
    %dma_wait3A_21 = tpu.memref_slice %arg3[%add3A, %dma_wait3A_20] : memref<32x64xi32, #tpu.memory_space<hbm>> -> memref<1x64xi32, #tpu.memory_space<hbm>>
    %dma_wait3A_22 = tpu.memref_squeeze %dma_wait3A_21 : memref<1x64xi32, #tpu.memory_space<hbm>> -> memref<64xi32, #tpu.memory_space<hbm>>
    tpu.wait_dma2 semaphore(%arg9 : memref<!tpu.dma_semaphore, #tpu.memory_space<semaphore_mem>>) src(%dma_wait3A_22 : memref<64xi32, #tpu.memory_space<hbm>>) dst(%arg6 : memref<64xi32, #tpu.memory_space<vmem>>)
    %dma_wait3A_23 = arith.constant 0 : i32
    %dma_wait3A_24 = tpu.memref_slice %arg4[%add3A, %dma_wait3A_23] : memref<32x64xi32, #tpu.memory_space<hbm>> -> memref<1x64xi32, #tpu.memory_space<hbm>>
    %dma_wait3A_25 = tpu.memref_squeeze %dma_wait3A_24 : memref<1x64xi32, #tpu.memory_space<hbm>> -> memref<64xi32, #tpu.memory_space<hbm>>
    %dma_wait3A_26 = arith.constant 0 : i32
    %dma_wait3A_27 = tpu.memref_slice %arg4[%add3A, %dma_wait3A_26] : memref<32x64xi32, #tpu.memory_space<hbm>> -> memref<1x64xi32, #tpu.memory_space<hbm>>
    %dma_wait3A_28 = tpu.memref_squeeze %dma_wait3A_27 : memref<1x64xi32, #tpu.memory_space<hbm>> -> memref<64xi32, #tpu.memory_space<hbm>>
    tpu.wait_dma2 semaphore(%arg10 : memref<!tpu.dma_semaphore, #tpu.memory_space<semaphore_mem>>) src(%dma_wait3A_28 : memref<64xi32, #tpu.memory_space<hbm>>) dst(%arg7 : memref<64xi32, #tpu.memory_space<vmem>>)
    %dma_wait3A_29 = arith.constant 0 : i32
    %dma_wait3A_30 = tpu.memref_slice %arg2[%mul3A_13, %dma_wait3A_29] : memref<2048x1024xf32, #tpu.memory_space<hbm>> -> memref<64x1024xf32, #tpu.memory_space<hbm>>
    %dma_wait3A_31 = arith.constant 0 : i32
    %dma_wait3A_32 = tpu.memref_slice %arg2[%mul3A_13, %dma_wait3A_31] : memref<2048x1024xf32, #tpu.memory_space<hbm>> -> memref<64x1024xf32, #tpu.memory_space<hbm>>
    tpu.wait_dma2 semaphore(%arg11 : memref<!tpu.dma_semaphore, #tpu.memory_space<semaphore_mem>>) src(%dma_wait3A_32 : memref<64x1024xf32, #tpu.memory_space<hbm>>) dst(%arg8 : memref<64x1024xf32, #tpu.memory_space<vmem>>)
    %dma_start3A_33 = arith.constant 0 : i32
    %dma_start3A_34 = arith.constant 0 : i32
    %dma_start3A_35 = tpu.memref_slice %arg5[%dma_start3A_33, %dma_start3A_34] : memref<6144x1024xf32, #tpu.memory_space<hbm>> -> memref<6144x1024xf32, #tpu.memory_space<hbm>>
    tpu.enqueue_indirect_dma source(%arg8 : memref<64x1024xf32, #tpu.memory_space<vmem>>) target(%dma_start3A_35 : memref<6144x1024xf32, #tpu.memory_space<hbm>>) offsets(%arg6 : memref<64xi32, #tpu.memory_space<vmem>>) semaphore(%arg9 : memref<!tpu.dma_semaphore, #tpu.memory_space<semaphore_mem>>)
    %dma_start3A_36 = arith.constant 0 : i32
    %dma_start3A_37 = arith.constant 0 : i32
    %dma_start3A_38 = tpu.memref_slice %arg5[%dma_start3A_36, %dma_start3A_37] : memref<6144x1024xf32, #tpu.memory_space<hbm>> -> memref<6144x1024xf32, #tpu.memory_space<hbm>>
    tpu.enqueue_indirect_dma source(%arg8 : memref<64x1024xf32, #tpu.memory_space<vmem>>) target(%dma_start3A_38 : memref<6144x1024xf32, #tpu.memory_space<hbm>>) offsets(%arg7 : memref<64xi32, #tpu.memory_space<vmem>>) semaphore(%arg10 : memref<!tpu.dma_semaphore, #tpu.memory_space<semaphore_mem>>)
    %dma_wait3A_39 = arith.constant 0 : i32
    %dma_wait3A_40 = arith.constant 0 : i32
    %dma_wait3A_41 = tpu.memref_slice %arg5[%dma_wait3A_39, %dma_wait3A_40] : memref<6144x1024xf32, #tpu.memory_space<hbm>> -> memref<6144x1024xf32, #tpu.memory_space<hbm>>
    tpu.wait_indirect_dma semaphore(%arg9 : memref<!tpu.dma_semaphore, #tpu.memory_space<semaphore_mem>>) src(%arg8 : memref<64x1024xf32, #tpu.memory_space<vmem>>) dst(%dma_wait3A_41 : memref<6144x1024xf32, #tpu.memory_space<hbm>>)
    %dma_wait3A_42 = arith.constant 0 : i32
    %dma_wait3A_43 = arith.constant 0 : i32
    %dma_wait3A_44 = tpu.memref_slice %arg5[%dma_wait3A_42, %dma_wait3A_43] : memref<6144x1024xf32, #tpu.memory_space<hbm>> -> memref<6144x1024xf32, #tpu.memory_space<hbm>>
    tpu.wait_indirect_dma semaphore(%arg10 : memref<!tpu.dma_semaphore, #tpu.memory_space<semaphore_mem>>) src(%arg8 : memref<64x1024xf32, #tpu.memory_space<vmem>>) dst(%dma_wait3A_44 : memref<6144x1024xf32, #tpu.memory_space<hbm>>)
    return
  }
}

module attributes {stable_mosaic.version = 14 : i64} {
  func.func @_router_kernel(%arg0: i32, %arg1: memref<256x1024xf32, #tpu.memory_space<vmem>>, %arg2: memref<1024x8xf32, #tpu.memory_space<vmem>>, %arg3: memref<1x8xf32, #tpu.memory_space<vmem>>, %arg4: memref<256x1xi32, #tpu.memory_space<vmem>>, %arg5: memref<256x1xi32, #tpu.memory_space<vmem>>, %arg6: memref<256x1xf32, #tpu.memory_space<vmem>>, %arg7: memref<256x1xf32, #tpu.memory_space<vmem>>, %arg8: memref<256x1xi32, #tpu.memory_space<vmem>>, %arg9: memref<256x1xi32, #tpu.memory_space<vmem>>, %arg10: memref<1x8xi32, #tpu.memory_space<vmem>>) attributes {dimension_semantics = [#tpu.dimension_semantics<arbitrary>], iteration_bounds = array<i64: 8>, scalar_prefetch = 0 : i64, scratch_operands = 0 : i64, tpu.core_type = #tpu.core_type<tc>, window_params = [{transform_indices = @transform_0, window_bounds = array<i64: 256, 1024>}, {pipeline_mode = #tpu.pipeline_mode<synchronous>, transform_indices = @transform_1, window_bounds = array<i64: 1024, 8>}, {pipeline_mode = #tpu.pipeline_mode<synchronous>, transform_indices = @transform_2, window_bounds = array<i64: 1, 8>}, {transform_indices = @transform_3, window_bounds = array<i64: 256, 1>}, {transform_indices = @transform_4, window_bounds = array<i64: 256, 1>}, {transform_indices = @transform_5, window_bounds = array<i64: 256, 1>}, {transform_indices = @transform_6, window_bounds = array<i64: 256, 1>}, {transform_indices = @transform_7, window_bounds = array<i64: 256, 1>}, {transform_indices = @transform_8, window_bounds = array<i64: 256, 1>}, {pipeline_mode = #tpu.pipeline_mode<synchronous>, transform_indices = @transform_9, window_bounds = array<i64: 1, 8>}]} {
    %get3A = arith.constant 0 : index
    %get3A_0 = arith.constant 0 : index
    %get3A_1 = vector.load %arg1[%get3A, %get3A_0] : memref<256x1024xf32, #tpu.memory_space<vmem>>, vector<256x1024xf32>
    %get3A_2 = arith.constant 0 : index
    %get3A_3 = arith.constant 0 : index
    %get3A_4 = vector.load %arg2[%get3A_2, %get3A_3] : memref<1024x8xf32, #tpu.memory_space<vmem>>, vector<1024x8xf32>
    %dot_general3A = arith.constant dense<0.000000e+00> : vector<256x8xf32>
    %dot_general3A_5 = tpu.matmul %get3A_1, %get3A_4, %dot_general3A {dimension_numbers = #tpu.dot_dimension_numbers<[1], [0], [0], [1], [0, 0, 1, 1], [], []>, transpose_lhs_hint = false} : vector<256x1024xf32>, vector<1024x8xf32>, vector<256x8xf32> -> vector<256x8xf32>
    %reduce_max3A = arith.constant dense<0xFF800000> : vector<256xf32>
    %reduce_max3A_6 = vector.multi_reduction <maximumf>, %dot_general3A_5, %reduce_max3A [1] : vector<256x8xf32> to vector<256xf32>
    %broadcast_in_dim3A = vector.shape_cast %reduce_max3A_6 : vector<256xf32> to vector<256x1xf32>
    %sub3A = vector.broadcast %broadcast_in_dim3A : vector<256x1xf32> to vector<256x8xf32>
    %sub3A_7 = arith.subf %dot_general3A_5, %sub3A : vector<256x8xf32>
    %exp3A = math.exp %sub3A_7 : vector<256x8xf32>
    %reduce_sum3A = arith.constant dense<0.000000e+00> : vector<256xf32>
    %reduce_sum3A_8 = vector.multi_reduction <add>, %exp3A, %reduce_sum3A [1] : vector<256x8xf32> to vector<256xf32>
    %broadcast_in_dim3A_9 = vector.shape_cast %reduce_sum3A_8 : vector<256xf32> to vector<256x1xf32>
    %div3A = vector.broadcast %broadcast_in_dim3A_9 : vector<256x1xf32> to vector<256x8xf32>
    %div3A_10 = arith.divf %exp3A, %div3A : vector<256x8xf32>
    %get3A_11 = arith.constant 0 : index
    %get3A_12 = arith.constant 0 : index
    %get3A_13 = vector.load %arg3[%get3A_11, %get3A_12] : memref<1x8xf32, #tpu.memory_space<vmem>>, vector<1x8xf32>
    %add3A = vector.broadcast %get3A_13 : vector<1x8xf32> to vector<256x8xf32>
    %add3A_14 = arith.addf %div3A_10, %add3A : vector<256x8xf32>
    %iota3A = tpu.iota {dimensions = array<i32: 1>} : vector<256x8xi32>
    %reduce_max3A_15 = arith.constant dense<0xFF800000> : vector<256xf32>
    %reduce_max3A_16 = vector.multi_reduction <maximumf>, %add3A_14, %reduce_max3A_15 [1] : vector<256x8xf32> to vector<256xf32>
    %broadcast_in_dim3A_17 = vector.shape_cast %reduce_max3A_16 : vector<256xf32> to vector<256x1xf32>
    %eq3A = vector.broadcast %broadcast_in_dim3A_17 : vector<256x1xf32> to vector<256x8xf32>
    %eq3A_18 = arith.cmpf oeq, %add3A_14, %eq3A : vector<256x8xf32>
    %jit3A = arith.constant 8 : i32
    %broadcast_in_dim3A_19 = vector.broadcast %jit3A : i32 to vector<256x8xi32>
    %select_n3A = arith.select %eq3A_18, %iota3A, %broadcast_in_dim3A_19 : vector<256x8xi1>, vector<256x8xi32>
    %reduce_min3A = arith.constant dense<2147483647> : vector<256xi32>
    %reduce_min3A_20 = vector.multi_reduction <minsi>, %select_n3A, %reduce_min3A [1] : vector<256x8xi32> to vector<256xi32>
    %broadcast_in_dim3A_21 = vector.shape_cast %reduce_min3A_20 : vector<256xi32> to vector<256x1xi32>
    %eq3A_22 = vector.broadcast %broadcast_in_dim3A_21 : vector<256x1xi32> to vector<256x8xi32>
    %eq3A_23 = arith.cmpi eq, %iota3A, %eq3A_22 : vector<256x8xi32>
    %jit3A_24 = arith.constant 0xFF800000 : f32
    %broadcast_in_dim3A_25 = vector.broadcast %jit3A_24 : f32 to vector<256x8xf32>
    %select_n3A_26 = arith.select %eq3A_23, %broadcast_in_dim3A_25, %add3A_14 : vector<256x8xi1>, vector<256x8xf32>
    %reduce_max3A_27 = arith.constant dense<0xFF800000> : vector<256xf32>
    %reduce_max3A_28 = vector.multi_reduction <maximumf>, %select_n3A_26, %reduce_max3A_27 [1] : vector<256x8xf32> to vector<256xf32>
    %broadcast_in_dim3A_29 = vector.shape_cast %reduce_max3A_28 : vector<256xf32> to vector<256x1xf32>
    %eq3A_30 = vector.broadcast %broadcast_in_dim3A_29 : vector<256x1xf32> to vector<256x8xf32>
    %eq3A_31 = arith.cmpf oeq, %select_n3A_26, %eq3A_30 : vector<256x8xf32>
    %jit3A_32 = arith.constant 8 : i32
    %broadcast_in_dim3A_33 = vector.broadcast %jit3A_32 : i32 to vector<256x8xi32>
    %select_n3A_34 = arith.select %eq3A_31, %iota3A, %broadcast_in_dim3A_33 : vector<256x8xi1>, vector<256x8xi32>
    %reduce_min3A_35 = arith.constant dense<2147483647> : vector<256xi32>
    %reduce_min3A_36 = vector.multi_reduction <minsi>, %select_n3A_34, %reduce_min3A_35 [1] : vector<256x8xi32> to vector<256xi32>
    %broadcast_in_dim3A_37 = vector.shape_cast %reduce_min3A_36 : vector<256xi32> to vector<256x1xi32>
    %eq3A_38 = vector.broadcast %broadcast_in_dim3A_21 : vector<256x1xi32> to vector<256x8xi32>
    %eq3A_39 = arith.cmpi eq, %iota3A, %eq3A_38 : vector<256x8xi32>
    %jit3A_40 = arith.constant 0.000000e+00 : f32
    %broadcast_in_dim3A_41 = vector.broadcast %jit3A_40 : f32 to vector<256x8xf32>
    %select_n3A_42 = arith.select %eq3A_39, %div3A_10, %broadcast_in_dim3A_41 : vector<256x8xi1>, vector<256x8xf32>
    %reduce_sum3A_43 = arith.constant dense<0.000000e+00> : vector<256xf32>
    %reduce_sum3A_44 = vector.multi_reduction <add>, %select_n3A_42, %reduce_sum3A_43 [1] : vector<256x8xf32> to vector<256xf32>
    %broadcast_in_dim3A_45 = vector.shape_cast %reduce_sum3A_44 : vector<256xf32> to vector<256x1xf32>
    %eq3A_46 = vector.broadcast %broadcast_in_dim3A_37 : vector<256x1xi32> to vector<256x8xi32>
    %eq3A_47 = arith.cmpi eq, %iota3A, %eq3A_46 : vector<256x8xi32>
    %jit3A_48 = arith.constant 0.000000e+00 : f32
    %broadcast_in_dim3A_49 = vector.broadcast %jit3A_48 : f32 to vector<256x8xf32>
    %select_n3A_50 = arith.select %eq3A_47, %div3A_10, %broadcast_in_dim3A_49 : vector<256x8xi1>, vector<256x8xf32>
    %reduce_sum3A_51 = arith.constant dense<0.000000e+00> : vector<256xf32>
    %reduce_sum3A_52 = vector.multi_reduction <add>, %select_n3A_50, %reduce_sum3A_51 [1] : vector<256x8xf32> to vector<256xf32>
    %broadcast_in_dim3A_53 = vector.shape_cast %reduce_sum3A_52 : vector<256xf32> to vector<256x1xf32>
    %add3A_54 = arith.addf %broadcast_in_dim3A_45, %broadcast_in_dim3A_53 : vector<256x1xf32>
    %add3A_55 = arith.constant 9.99999971E-10 : f32
    %add3A_56 = vector.broadcast %add3A_55 : f32 to vector<256x1xf32>
    %add3A_57 = arith.addf %add3A_54, %add3A_56 : vector<256x1xf32>
    %swap3A = arith.constant 0 : index
    %swap3A_58 = arith.constant 0 : index
    %swap3A_59 = vector.load %arg4[%swap3A, %swap3A_58] : memref<256x1xi32, #tpu.memory_space<vmem>>, vector<256x1xi32>
    tpu.vector_store %arg4[%swap3A, %swap3A_58], %broadcast_in_dim3A_21 {strides = array<i32>} : memref<256x1xi32, #tpu.memory_space<vmem>>, vector<256x1xi32>,
    %swap3A_60 = arith.constant 0 : index
    %swap3A_61 = arith.constant 0 : index
    %swap3A_62 = vector.load %arg5[%swap3A_60, %swap3A_61] : memref<256x1xi32, #tpu.memory_space<vmem>>, vector<256x1xi32>
    tpu.vector_store %arg5[%swap3A_60, %swap3A_61], %broadcast_in_dim3A_37 {strides = array<i32>} : memref<256x1xi32, #tpu.memory_space<vmem>>, vector<256x1xi32>,
    %div3A_63 = arith.divf %broadcast_in_dim3A_45, %add3A_57 : vector<256x1xf32>
    %swap3A_64 = arith.constant 0 : index
    %swap3A_65 = arith.constant 0 : index
    %swap3A_66 = vector.load %arg6[%swap3A_64, %swap3A_65] : memref<256x1xf32, #tpu.memory_space<vmem>>, vector<256x1xf32>
    tpu.vector_store %arg6[%swap3A_64, %swap3A_65], %div3A_63 {strides = array<i32>} : memref<256x1xf32, #tpu.memory_space<vmem>>, vector<256x1xf32>,
    %div3A_67 = arith.divf %broadcast_in_dim3A_53, %add3A_57 : vector<256x1xf32>
    %swap3A_68 = arith.constant 0 : index
    %swap3A_69 = arith.constant 0 : index
    %swap3A_70 = vector.load %arg7[%swap3A_68, %swap3A_69] : memref<256x1xf32, #tpu.memory_space<vmem>>, vector<256x1xf32>
    tpu.vector_store %arg7[%swap3A_68, %swap3A_69], %div3A_67 {strides = array<i32>} : memref<256x1xf32, #tpu.memory_space<vmem>>, vector<256x1xf32>,
    %eq3A_71 = vector.broadcast %broadcast_in_dim3A_21 : vector<256x1xi32> to vector<256x8xi32>
    %eq3A_72 = arith.cmpi eq, %iota3A, %eq3A_71 : vector<256x8xi32>
    %convert_element_type3A = arith.extui %eq3A_72 : vector<256x8xi1> to vector<256x8xi32>
    %convert_element_type3A_73 = arith.sitofp %convert_element_type3A : vector<256x8xi32> to vector<256x8xf32>
    %eq3A_74 = vector.broadcast %broadcast_in_dim3A_37 : vector<256x1xi32> to vector<256x8xi32>
    %eq3A_75 = arith.cmpi eq, %iota3A, %eq3A_74 : vector<256x8xi32>
    %convert_element_type3A_76 = arith.extui %eq3A_75 : vector<256x8xi1> to vector<256x8xi32>
    %convert_element_type3A_77 = arith.sitofp %convert_element_type3A_76 : vector<256x8xi32> to vector<256x8xf32>
    %add3A_78 = arith.addf %convert_element_type3A_73, %convert_element_type3A_77 : vector<256x8xf32>
    %iota3A_79 = tpu.iota {dimensions = array<i32: 0>} : vector<256x256xi32>
    %iota3A_80 = tpu.iota {dimensions = array<i32: 1>} : vector<256x256xi32>
    %gt3A = arith.cmpi sgt, %iota3A_79, %iota3A_80 : vector<256x256xi32>
    %convert_element_type3A_81 = arith.extui %gt3A : vector<256x256xi1> to vector<256x256xi32>
    %convert_element_type3A_82 = arith.sitofp %convert_element_type3A_81 : vector<256x256xi32> to vector<256x256xf32>
    %dot_general3A_83 = arith.constant dense<0.000000e+00> : vector<256x8xf32>
    %dot_general3A_84 = tpu.matmul %convert_element_type3A_82, %add3A_78, %dot_general3A_83 {dimension_numbers = #tpu.dot_dimension_numbers<[1], [0], [0], [1], [0, 0, 1, 1], [], []>, transpose_lhs_hint = false} : vector<256x256xf32>, vector<256x8xf32>, vector<256x8xf32> -> vector<256x8xf32>
    %eq3A_85 = arith.constant 0 : i32
    %eq3A_86 = arith.cmpi eq, %arg0, %eq3A_85 : i32
    %get3A_87 = arith.constant 0 : index
    %get3A_88 = arith.constant 0 : index
    %get3A_89 = vector.load %arg10[%get3A_87, %get3A_88] : memref<1x8xi32, #tpu.memory_space<vmem>>, vector<1x8xi32>
    %jit3A_90 = arith.constant 0 : i32
    %broadcast_in_dim3A_91 = vector.broadcast %jit3A_90 : i32 to vector<1x8xi32>
    %select_n3A_92 = arith.select %eq3A_86, %broadcast_in_dim3A_91, %get3A_89 : vector<1x8xi32>
    %convert_element_type3A_93 = arith.sitofp %select_n3A_92 : vector<1x8xi32> to vector<1x8xf32>
    %add3A_94 = vector.broadcast %convert_element_type3A_93 : vector<1x8xf32> to vector<256x8xf32>
    %add3A_95 = arith.addf %dot_general3A_84, %add3A_94 : vector<256x8xf32>
    %mul3A = arith.mulf %add3A_95, %convert_element_type3A_73 : vector<256x8xf32>
    %reduce_sum3A_96 = arith.constant dense<0.000000e+00> : vector<256xf32>
    %reduce_sum3A_97 = vector.multi_reduction <add>, %mul3A, %reduce_sum3A_96 [1] : vector<256x8xf32> to vector<256xf32>
    %broadcast_in_dim3A_98 = vector.shape_cast %reduce_sum3A_97 : vector<256xf32> to vector<256x1xf32>
    %convert_element_type3A_99 = arith.fptosi %broadcast_in_dim3A_98 : vector<256x1xf32> to vector<256x1xi32>
    %swap3A_100 = arith.constant 0 : index
    %swap3A_101 = arith.constant 0 : index
    %swap3A_102 = vector.load %arg8[%swap3A_100, %swap3A_101] : memref<256x1xi32, #tpu.memory_space<vmem>>, vector<256x1xi32>
    tpu.vector_store %arg8[%swap3A_100, %swap3A_101], %convert_element_type3A_99 {strides = array<i32>} : memref<256x1xi32, #tpu.memory_space<vmem>>, vector<256x1xi32>,
    %mul3A_103 = arith.mulf %add3A_95, %convert_element_type3A_77 : vector<256x8xf32>
    %reduce_sum3A_104 = arith.constant dense<0.000000e+00> : vector<256xf32>
    %reduce_sum3A_105 = vector.multi_reduction <add>, %mul3A_103, %reduce_sum3A_104 [1] : vector<256x8xf32> to vector<256xf32>
    %broadcast_in_dim3A_106 = vector.shape_cast %reduce_sum3A_105 : vector<256xf32> to vector<256x1xf32>
    %convert_element_type3A_107 = arith.fptosi %broadcast_in_dim3A_106 : vector<256x1xf32> to vector<256x1xi32>
    %swap3A_108 = arith.constant 0 : index
    %swap3A_109 = arith.constant 0 : index
    %swap3A_110 = vector.load %arg9[%swap3A_108, %swap3A_109] : memref<256x1xi32, #tpu.memory_space<vmem>>, vector<256x1xi32>
    tpu.vector_store %arg9[%swap3A_108, %swap3A_109], %convert_element_type3A_107 {strides = array<i32>} : memref<256x1xi32, #tpu.memory_space<vmem>>, vector<256x1xi32>,
    %reduce_sum3A_111 = arith.constant dense<0.000000e+00> : vector<8xf32>
    %reduce_sum3A_112 = vector.multi_reduction <add>, %add3A_78, %reduce_sum3A_111 [0] : vector<256x8xf32> to vector<8xf32>
    %broadcast_in_dim3A_113 = vector.shape_cast %reduce_sum3A_112 : vector<8xf32> to vector<1x8xf32>
    %convert_element_type3A_114 = arith.fptosi %broadcast_in_dim3A_113 : vector<1x8xf32> to vector<1x8xi32>
    %eq3A_115 = arith.constant 0 : i32
    %eq3A_116 = arith.cmpi eq, %arg0, %eq3A_115 : i32
    %convert_element_type3A_117 = arith.extui %eq3A_116 : i1 to i32
    %cond3A = arith.constant 0 : i32
    %cond3A_118 = arith.cmpi ne, %convert_element_type3A_117, %cond3A : i32
    scf.if %cond3A_118 {
      %swap3A_123 = arith.constant 0 : index
      %swap3A_124 = arith.constant 0 : index
      %swap3A_125 = vector.load %arg10[%swap3A_123, %swap3A_124] : memref<1x8xi32, #tpu.memory_space<vmem>>, vector<1x8xi32>
      tpu.vector_store %arg10[%swap3A_123, %swap3A_124], %convert_element_type3A_114 {strides = array<i32>} : memref<1x8xi32, #tpu.memory_space<vmem>>, vector<1x8xi32>,
    } else {
    }
    %ne3A = arith.constant 0 : i32
    %ne3A_119 = arith.cmpi ne, %arg0, %ne3A : i32
    %convert_element_type3A_120 = arith.extui %ne3A_119 : i1 to i32
    %cond3A_121 = arith.constant 0 : i32
    %cond3A_122 = arith.cmpi ne, %convert_element_type3A_120, %cond3A_121 : i32
    scf.if %cond3A_122 {
      %get3A_123 = arith.constant 0 : index
      %get3A_124 = arith.constant 0 : index
      %get3A_125 = vector.load %arg10[%get3A_123, %get3A_124] : memref<1x8xi32, #tpu.memory_space<vmem>>, vector<1x8xi32>
      %add3A_126 = arith.addi %get3A_125, %convert_element_type3A_114 : vector<1x8xi32>
      %swap3A_127 = arith.constant 0 : index
      %swap3A_128 = arith.constant 0 : index
      %swap3A_129 = vector.load %arg10[%swap3A_127, %swap3A_128] : memref<1x8xi32, #tpu.memory_space<vmem>>, vector<1x8xi32>
      tpu.vector_store %arg10[%swap3A_127, %swap3A_128], %add3A_126 {strides = array<i32>} : memref<1x8xi32, #tpu.memory_space<vmem>>, vector<1x8xi32>,
    } else {
    }
    return
  }
  func.func @transform_0(%arg0: i32) -> (i32, i32) {
    %c0_i32 = arith.constant 0 : i32
    %c0_i32_0 = arith.constant 0 : i32
    return %arg0, %c0_i32 : i32, i32
  }
  func.func @transform_1(%arg0: i32) -> (i32, i32) {
    %c0_i32 = arith.constant 0 : i32
    %c0_i32_0 = arith.constant 0 : i32
    %c0_i32_1 = arith.constant 0 : i32
    return %c0_i32, %c0_i32_0 : i32, i32
  }
  func.func @transform_2(%arg0: i32) -> (i32, i32) {
    %c0_i32 = arith.constant 0 : i32
    %c0_i32_0 = arith.constant 0 : i32
    %c0_i32_1 = arith.constant 0 : i32
    return %c0_i32, %c0_i32_0 : i32, i32
  }
  func.func @transform_3(%arg0: i32) -> (i32, i32) {
    %c0_i32 = arith.constant 0 : i32
    %c0_i32_0 = arith.constant 0 : i32
    return %arg0, %c0_i32 : i32, i32
  }
  func.func @transform_4(%arg0: i32) -> (i32, i32) {
    %c0_i32 = arith.constant 0 : i32
    %c0_i32_0 = arith.constant 0 : i32
    return %arg0, %c0_i32 : i32, i32
  }
  func.func @transform_5(%arg0: i32) -> (i32, i32) {
    %c0_i32 = arith.constant 0 : i32
    %c0_i32_0 = arith.constant 0 : i32
    return %arg0, %c0_i32 : i32, i32
  }
  func.func @transform_6(%arg0: i32) -> (i32, i32) {
    %c0_i32 = arith.constant 0 : i32
    %c0_i32_0 = arith.constant 0 : i32
    return %arg0, %c0_i32 : i32, i32
  }
  func.func @transform_7(%arg0: i32) -> (i32, i32) {
    %c0_i32 = arith.constant 0 : i32
    %c0_i32_0 = arith.constant 0 : i32
    return %arg0, %c0_i32 : i32, i32
  }
  func.func @transform_8(%arg0: i32) -> (i32, i32) {
    %c0_i32 = arith.constant 0 : i32
    %c0_i32_0 = arith.constant 0 : i32
    return %arg0, %c0_i32 : i32, i32
  }
  func.func @transform_9(%arg0: i32) -> (i32, i32) {
    %c0_i32 = arith.constant 0 : i32
    %c0_i32_0 = arith.constant 0 : i32
    %c0_i32_1 = arith.constant 0 : i32
    return %c0_i32, %c0_i32_0 : i32, i32
  }
}

module attributes {stable_mosaic.version = 14 : i64} {
  func.func @_shared_kernel(%arg0: i32, %arg1: memref<256x1024xf32, #tpu.memory_space<vmem>>, %arg2: memref<1024x1024xf32, #tpu.memory_space<vmem>>, %arg3: memref<1024x1024xf32, #tpu.memory_space<vmem>>, %arg4: memref<256x1024xf32, #tpu.memory_space<vmem>>) attributes {dimension_semantics = [#tpu.dimension_semantics<arbitrary>], iteration_bounds = array<i64: 8>, scalar_prefetch = 0 : i64, scratch_operands = 0 : i64, tpu.core_type = #tpu.core_type<tc>, window_params = [{transform_indices = @transform_0, window_bounds = array<i64: 256, 1024>}, {pipeline_mode = #tpu.pipeline_mode<synchronous>, transform_indices = @transform_1, window_bounds = array<i64: 1024, 1024>}, {pipeline_mode = #tpu.pipeline_mode<synchronous>, transform_indices = @transform_2, window_bounds = array<i64: 1024, 1024>}, {transform_indices = @transform_3, window_bounds = array<i64: 256, 1024>}]} {
    %get3A = arith.constant 0 : index
    %get3A_0 = arith.constant 0 : index
    %get3A_1 = vector.load %arg1[%get3A, %get3A_0] : memref<256x1024xf32, #tpu.memory_space<vmem>>, vector<256x1024xf32>
    %get3A_2 = arith.constant 0 : index
    %get3A_3 = arith.constant 0 : index
    %get3A_4 = vector.load %arg2[%get3A_2, %get3A_3] : memref<1024x1024xf32, #tpu.memory_space<vmem>>, vector<1024x1024xf32>
    %dot_general3A = arith.constant dense<0.000000e+00> : vector<256x1024xf32>
    %dot_general3A_5 = tpu.matmul %get3A_1, %get3A_4, %dot_general3A {dimension_numbers = #tpu.dot_dimension_numbers<[1], [0], [0], [1], [0, 0, 1, 1], [], []>, transpose_lhs_hint = false} : vector<256x1024xf32>, vector<1024x1024xf32>, vector<256x1024xf32> -> vector<256x1024xf32>
    %logistic3A = arith.negf %dot_general3A_5 : vector<256x1024xf32>
    %logistic3A_6 = math.exp %logistic3A : vector<256x1024xf32>
    %logistic3A_7 = arith.constant 1.000000e+00 : f32
    %logistic3A_8 = vector.broadcast %logistic3A_7 : f32 to vector<256x1024xf32>
    %logistic3A_9 = arith.addf %logistic3A_8, %logistic3A_6 : vector<256x1024xf32>
    %logistic3A_10 = arith.divf %logistic3A_8, %logistic3A_9 : vector<256x1024xf32>
    %mul3A = arith.mulf %dot_general3A_5, %logistic3A_10 : vector<256x1024xf32>
    %get3A_11 = arith.constant 0 : index
    %get3A_12 = arith.constant 0 : index
    %get3A_13 = vector.load %arg3[%get3A_11, %get3A_12] : memref<1024x1024xf32, #tpu.memory_space<vmem>>, vector<1024x1024xf32>
    %dot_general3A_14 = arith.constant dense<0.000000e+00> : vector<256x1024xf32>
    %dot_general3A_15 = tpu.matmul %mul3A, %get3A_13, %dot_general3A_14 {dimension_numbers = #tpu.dot_dimension_numbers<[1], [0], [0], [1], [0, 0, 1, 1], [], []>, transpose_lhs_hint = false} : vector<256x1024xf32>, vector<1024x1024xf32>, vector<256x1024xf32> -> vector<256x1024xf32>
    %swap3A = arith.constant 0 : index
    %swap3A_16 = arith.constant 0 : index
    %swap3A_17 = vector.load %arg4[%swap3A, %swap3A_16] : memref<256x1024xf32, #tpu.memory_space<vmem>>, vector<256x1024xf32>
    tpu.vector_store %arg4[%swap3A, %swap3A_16], %dot_general3A_15 {strides = array<i32>} : memref<256x1024xf32, #tpu.memory_space<vmem>>, vector<256x1024xf32>,
    return
  }
  func.func @transform_0(%arg0: i32) -> (i32, i32) {
    %c0_i32 = arith.constant 0 : i32
    %c0_i32_0 = arith.constant 0 : i32
    return %arg0, %c0_i32 : i32, i32
  }
  func.func @transform_1(%arg0: i32) -> (i32, i32) {
    %c0_i32 = arith.constant 0 : i32
    %c0_i32_0 = arith.constant 0 : i32
    %c0_i32_1 = arith.constant 0 : i32
    return %c0_i32, %c0_i32_0 : i32, i32
  }
  func.func @transform_2(%arg0: i32) -> (i32, i32) {
    %c0_i32 = arith.constant 0 : i32
    %c0_i32_0 = arith.constant 0 : i32
    %c0_i32_1 = arith.constant 0 : i32
    return %c0_i32, %c0_i32_0 : i32, i32
  }
  func.func @transform_3(%arg0: i32) -> (i32, i32) {
    %c0_i32 = arith.constant 0 : i32
    %c0_i32_0 = arith.constant 0 : i32
    return %arg0, %c0_i32 : i32, i32
  }
}

module attributes {stable_mosaic.version = 14 : i64} {
  func.func @_grouped_ffn_kernel(%arg0: i32, %arg1: memref<3x24xi32, #tpu.memory_space<smem>>, %arg2: memref<256x1024xf32, #tpu.memory_space<vmem>>, %arg3: memref<1x1024x1024xf32, #tpu.memory_space<vmem>>, %arg4: memref<1x1024x1024xf32, #tpu.memory_space<vmem>>, %arg5: memref<256x1024xf32, #tpu.memory_space<vmem>>) attributes {dimension_semantics = [#tpu.dimension_semantics<arbitrary>], iteration_bounds = array<i64: 24>, scalar_prefetch = 1 : i64, scratch_operands = 0 : i64, tpu.core_type = #tpu.core_type<tc>, window_params = [{transform_indices = @transform_0, window_bounds = array<i64: 256, 1024>}, {transform_indices = @transform_1, window_bounds = array<i64: 1, 1024, 1024>}, {transform_indices = @transform_2, window_bounds = array<i64: 1, 1024, 1024>}, {transform_indices = @transform_3, window_bounds = array<i64: 256, 1024>}]} {
    %get3A = arith.constant 2 : index
    %get3A_0 = arith.index_cast %arg0 : i32 to index
    %get3A_1 = memref.load %arg1[%get3A, %get3A_0] : memref<3x24xi32, #tpu.memory_space<smem>>
    %eq3A = arith.constant 1 : i32
    %eq3A_2 = arith.cmpi eq, %get3A_1, %eq3A : i32
    %convert_element_type3A = arith.extui %eq3A_2 : i1 to i32
    %cond3A = arith.constant 0 : i32
    %cond3A_3 = arith.cmpi ne, %convert_element_type3A, %cond3A : i32
    scf.if %cond3A_3 {
      %get3A_4 = arith.constant 0 : index
      %get3A_5 = arith.constant 0 : index
      %get3A_6 = vector.load %arg2[%get3A_4, %get3A_5] : memref<256x1024xf32, #tpu.memory_space<vmem>>, vector<256x1024xf32>
      %get3A_7 = arith.constant 0 : index
      %get3A_8 = arith.constant 0 : index
      %get3A_9 = arith.constant 0 : index
      %get3A_10 = vector.load %arg3[%get3A_7, %get3A_8, %get3A_9] : memref<1x1024x1024xf32, #tpu.memory_space<vmem>>, vector<1x1024x1024xf32>
      %get3A_11 = vector.shape_cast %get3A_10 : vector<1x1024x1024xf32> to vector<1024x1024xf32>
      %dot_general3A = arith.constant dense<0.000000e+00> : vector<256x1024xf32>
      %dot_general3A_12 = tpu.matmul %get3A_6, %get3A_11, %dot_general3A {dimension_numbers = #tpu.dot_dimension_numbers<[1], [0], [0], [1], [0, 0, 1, 1], [], []>, transpose_lhs_hint = false} : vector<256x1024xf32>, vector<1024x1024xf32>, vector<256x1024xf32> -> vector<256x1024xf32>
      %logistic3A = arith.negf %dot_general3A_12 : vector<256x1024xf32>
      %logistic3A_13 = math.exp %logistic3A : vector<256x1024xf32>
      %logistic3A_14 = arith.constant 1.000000e+00 : f32
      %logistic3A_15 = vector.broadcast %logistic3A_14 : f32 to vector<256x1024xf32>
      %logistic3A_16 = arith.addf %logistic3A_15, %logistic3A_13 : vector<256x1024xf32>
      %logistic3A_17 = arith.divf %logistic3A_15, %logistic3A_16 : vector<256x1024xf32>
      %mul3A = arith.mulf %dot_general3A_12, %logistic3A_17 : vector<256x1024xf32>
      %get3A_18 = arith.constant 0 : index
      %get3A_19 = arith.constant 0 : index
      %get3A_20 = arith.constant 0 : index
      %get3A_21 = vector.load %arg4[%get3A_18, %get3A_19, %get3A_20] : memref<1x1024x1024xf32, #tpu.memory_space<vmem>>, vector<1x1024x1024xf32>
      %get3A_22 = vector.shape_cast %get3A_21 : vector<1x1024x1024xf32> to vector<1024x1024xf32>
      %dot_general3A_23 = arith.constant dense<0.000000e+00> : vector<256x1024xf32>
      %dot_general3A_24 = tpu.matmul %mul3A, %get3A_22, %dot_general3A_23 {dimension_numbers = #tpu.dot_dimension_numbers<[1], [0], [0], [1], [0, 0, 1, 1], [], []>, transpose_lhs_hint = false} : vector<256x1024xf32>, vector<1024x1024xf32>, vector<256x1024xf32> -> vector<256x1024xf32>
      %swap3A = arith.constant 0 : index
      %swap3A_25 = arith.constant 0 : index
      %swap3A_26 = vector.load %arg5[%swap3A, %swap3A_25] : memref<256x1024xf32, #tpu.memory_space<vmem>>, vector<256x1024xf32>
      tpu.vector_store %arg5[%swap3A, %swap3A_25], %dot_general3A_24 {strides = array<i32>} : memref<256x1024xf32, #tpu.memory_space<vmem>>, vector<256x1024xf32>,
    } else {
    }
    return
  }
  func.func @transform_0(%arg0: i32, %arg1: memref<3x24xi32, #tpu.memory_space<smem>>) -> (i32, i32) {
    %get3A = arith.constant 0 : index
    %get3A_0 = arith.index_cast %arg0 : i32 to index
    %get3A_1 = memref.load %arg1[%get3A, %get3A_0] : memref<3x24xi32, #tpu.memory_space<smem>>
    %c0_i32 = arith.constant 0 : i32
    %c0_i32_2 = arith.constant 0 : i32
    return %get3A_1, %c0_i32 : i32, i32
  }
  func.func @transform_1(%arg0: i32, %arg1: memref<3x24xi32, #tpu.memory_space<smem>>) -> (i32, i32, i32) {
    %get3A = arith.constant 1 : index
    %get3A_0 = arith.index_cast %arg0 : i32 to index
    %get3A_1 = memref.load %arg1[%get3A, %get3A_0] : memref<3x24xi32, #tpu.memory_space<smem>>
    %c0_i32 = arith.constant 0 : i32
    %c0_i32_2 = arith.constant 0 : i32
    %c0_i32_3 = arith.constant 0 : i32
    return %get3A_1, %c0_i32, %c0_i32_2 : i32, i32, i32
  }
  func.func @transform_2(%arg0: i32, %arg1: memref<3x24xi32, #tpu.memory_space<smem>>) -> (i32, i32, i32) {
    %get3A = arith.constant 1 : index
    %get3A_0 = arith.index_cast %arg0 : i32 to index
    %get3A_1 = memref.load %arg1[%get3A, %get3A_0] : memref<3x24xi32, #tpu.memory_space<smem>>
    %c0_i32 = arith.constant 0 : i32
    %c0_i32_2 = arith.constant 0 : i32
    %c0_i32_3 = arith.constant 0 : i32
    return %get3A_1, %c0_i32, %c0_i32_2 : i32, i32, i32
  }
  func.func @transform_3(%arg0: i32, %arg1: memref<3x24xi32, #tpu.memory_space<smem>>) -> (i32, i32) {
    %get3A = arith.constant 0 : index
    %get3A_0 = arith.index_cast %arg0 : i32 to index
    %get3A_1 = memref.load %arg1[%get3A, %get3A_0] : memref<3x24xi32, #tpu.memory_space<smem>>
    %c0_i32 = arith.constant 0 : i32
    %c0_i32_2 = arith.constant 0 : i32
    return %get3A_1, %c0_i32 : i32, i32
  }
}

module attributes {stable_mosaic.version = 14 : i64} {
  func.func @_combine_kernel(%arg0: i32, %arg1: memref<256x1024xf32, #tpu.memory_space<vmem>>, %arg2: memref<256x1xf32, #tpu.memory_space<vmem>>, %arg3: memref<256x1xf32, #tpu.memory_space<vmem>>, %arg4: memref<256x1024xf32, #tpu.memory_space<vmem>>, %arg5: memref<256x1024xf32, #tpu.memory_space<vmem>>, %arg6: memref<256x1024xf32, #tpu.memory_space<vmem>>) attributes {dimension_semantics = [#tpu.dimension_semantics<parallel>], iteration_bounds = array<i64: 8>, scalar_prefetch = 0 : i64, scratch_operands = 0 : i64, tpu.core_type = #tpu.core_type<tc>, window_params = [{transform_indices = @transform_0, window_bounds = array<i64: 256, 1024>}, {transform_indices = @transform_1, window_bounds = array<i64: 256, 1>}, {transform_indices = @transform_2, window_bounds = array<i64: 256, 1>}, {transform_indices = @transform_3, window_bounds = array<i64: 256, 1024>}, {transform_indices = @transform_4, window_bounds = array<i64: 256, 1024>}, {transform_indices = @transform_5, window_bounds = array<i64: 256, 1024>}]} {
    %get3A = arith.constant 0 : index
    %get3A_0 = arith.constant 0 : index
    %get3A_1 = vector.load %arg1[%get3A, %get3A_0] : memref<256x1024xf32, #tpu.memory_space<vmem>>, vector<256x1024xf32>
    %get3A_2 = arith.constant 0 : index
    %get3A_3 = arith.constant 0 : index
    %get3A_4 = vector.load %arg2[%get3A_2, %get3A_3] : memref<256x1xf32, #tpu.memory_space<vmem>>, vector<256x1xf32>
    %get3A_5 = arith.constant 0 : index
    %get3A_6 = arith.constant 0 : index
    %get3A_7 = vector.load %arg4[%get3A_5, %get3A_6] : memref<256x1024xf32, #tpu.memory_space<vmem>>, vector<256x1024xf32>
    %mul3A = vector.broadcast %get3A_4 : vector<256x1xf32> to vector<256x1024xf32>
    %mul3A_8 = arith.mulf %mul3A, %get3A_7 : vector<256x1024xf32>
    %add3A = arith.addf %get3A_1, %mul3A_8 : vector<256x1024xf32>
    %get3A_9 = arith.constant 0 : index
    %get3A_10 = arith.constant 0 : index
    %get3A_11 = vector.load %arg3[%get3A_9, %get3A_10] : memref<256x1xf32, #tpu.memory_space<vmem>>, vector<256x1xf32>
    %get3A_12 = arith.constant 0 : index
    %get3A_13 = arith.constant 0 : index
    %get3A_14 = vector.load %arg5[%get3A_12, %get3A_13] : memref<256x1024xf32, #tpu.memory_space<vmem>>, vector<256x1024xf32>
    %mul3A_15 = vector.broadcast %get3A_11 : vector<256x1xf32> to vector<256x1024xf32>
    %mul3A_16 = arith.mulf %mul3A_15, %get3A_14 : vector<256x1024xf32>
    %add3A_17 = arith.addf %add3A, %mul3A_16 : vector<256x1024xf32>
    %swap3A = arith.constant 0 : index
    %swap3A_18 = arith.constant 0 : index
    %swap3A_19 = vector.load %arg6[%swap3A, %swap3A_18] : memref<256x1024xf32, #tpu.memory_space<vmem>>, vector<256x1024xf32>
    tpu.vector_store %arg6[%swap3A, %swap3A_18], %add3A_17 {strides = array<i32>} : memref<256x1024xf32, #tpu.memory_space<vmem>>, vector<256x1024xf32>,
    return
  }
  func.func @transform_0(%arg0: i32) -> (i32, i32) {
    %c0_i32 = arith.constant 0 : i32
    %c0_i32_0 = arith.constant 0 : i32
    return %arg0, %c0_i32 : i32, i32
  }
  func.func @transform_1(%arg0: i32) -> (i32, i32) {
    %c0_i32 = arith.constant 0 : i32
    %c0_i32_0 = arith.constant 0 : i32
    return %arg0, %c0_i32 : i32, i32
  }
  func.func @transform_2(%arg0: i32) -> (i32, i32) {
    %c0_i32 = arith.constant 0 : i32
    %c0_i32_0 = arith.constant 0 : i32
    return %arg0, %c0_i32 : i32, i32
  }
  func.func @transform_3(%arg0: i32) -> (i32, i32) {
    %c0_i32 = arith.constant 0 : i32
    %c0_i32_0 = arith.constant 0 : i32
    return %arg0, %c0_i32 : i32, i32
  }
  func.func @transform_4(%arg0: i32) -> (i32, i32) {
    %add3A = arith.constant 8 : i32
    %add3A_0 = arith.addi %arg0, %add3A : i32
    %c0_i32 = arith.constant 0 : i32
    %c0_i32_1 = arith.constant 0 : i32
    return %add3A_0, %c0_i32 : i32, i32
  }
  func.func @transform_5(%arg0: i32) -> (i32, i32) {
    %c0_i32 = arith.constant 0 : i32
    %c0_i32_0 = arith.constant 0 : i32
    return %arg0, %c0_i32 : i32, i32
  }
}

</mosaic_0001>

<sc_bundles>
// kernel: kernel.11.cloned.1.call-start
scs
__scs_entry_jumppad:
0x0: {  	(pc) =	sbr.rel $0x88, $3  }
0x1: {  	(tag) =	ssettag $0x0;
	lr =	simm.s32 $0x1  }
0x2: {  	[smem:$0x3F9A] =	sst lr;
	_ =	strace $0xD0000000  }
0x3: {  	_ = 	snop  }
0x4: {  	_ = 	snop  }
0x5: {  	_ = 	snop  }
0x6: {  	_ = 	snop  }
0x7: {  	_ = 	snop  }
__scs_overlays_trampoline_lowered:
0x8: {  	[smem:$0x3FA9] =	sst s0  }
0x9: {  	[smem:$0x3FAA] =	sst s1  }
0xa: {  	[smem:$0x3FAB] =	sst s2  }
0xb: {  	[smem:$0x3FAC] =	sst s3  }
0xc: {  	[smem:$0x3FAD] =	sst s4  }
0xd: {  	[smem:$0x3FAE] =	sst s5  }
0xe: {  	[smem:$0x3FAF] =	sst s6  }
0xf: {  	[smem:$0x3FB0] =	sst s7  }
0x10: {  	[smem:$0x3FB1] =	sst s8  }
0x11: {  	[smem:$0x3FB2] =	sst s9;
	s0 =	simm.s32 @!p0 $0x0  }
0x12: {  	s1 =	sld [smem:$0x3F98];
	s0 =	simm.s32 @p0 $0x1  }
0x13: {  	[smem:$0x3FB3] =	sst s0;
	s0 =	simm.s32 @!p1 $0x0  }
0x14: {  	s2 =	sld [smem:$0x3F97];
	s0 =	simm.s32 @p1 $0x1  }
0x15: {  	[smem:$0x3FB4] =	sst s0;
	s0 =	simm.s32 @!p2 $0x0  }
0x16: {  	s3 =	sld [smem:$0x3FDB];
	s0 =	simm.s32 @p2 $0x1  }
0x17: {  	s4 =	simm.s32 $0x1BF5;
	[smem:$0x3FB6] =	sst s0  }
0x18: {  	s0 =	sld [smem:$0x3F99];
	_ =	swait.ge [sflag:s4], $0x0  }
0x19: {  	s7 =	sld [smem:$0x3F9A]  }
0x1a: {  	s8 =	sadd.s32 $0xFFFFE003, lr  }
0x1b: {  	s9 =	sadd.s32 $0xFFFFFEF7, lr;
	s5 =	simm.s32 $0xFFFFFFFF;
	p2 =	slt.u32 s8, $0xFFFFF086  }
0x1c: {  	p1 =	slt.u32 s9, $0xF7A;
	s5 =	simm.s32 @!p2 $0x0  }
0x1d: {  	s5 =	simm.s32 @p1 $0x1;
	p0 =	seq.s32 s7, s2  }
0x1e: {  	s7 =	smul.u32 @!p0 $0xF7A, s2;
	p2 =	seq.s32 @!p0 s5, $0x0  }
0x1f: {  	s9 =	smul.u32 $0xF7A, s1;
	s8 =	simm.s32 @!p0 $0x1BF5;
	p2 =	por !p2, p0  }
0x20: {  	[sflag:s8] =	ssyncset.s32 @!p0 $0xFFFFF086;
	s6 =	sadd.s32 @!p0 s3, s7;
	s7 =	simm.s32 @!p0 $0x108  }
0x21: {  	s3 =	sadd.s32 s3, s9;
	s6 =	sadd.s32 @!p0 $0x88, s6;
	s7 =	simm.s32 @p2 $0x1082  }
0x22: {  	[simem:s7], [sflag:s8] =	dma.local @!p0 [hbm:s6], $0xF7A  }
0x23: {  	s9 =	sor.u32 $0xD0000000, s2;
	s6 =	simm.s32 $0x108;
	_ =	swait.ge @!p0 [sflag:s8], $0x0  }
0x24: {  	s3 =	sadd.s32 $0x88, s3;
	s6 =	simm.s32 @!p1 $0x1082;
	[sflag:s4] =	ssyncset.s32 $0xFFFFF086  }
0x25: {  	[simem:s6], [sflag:s4] =	dma.local [hbm:s3], $0xF7A  }
0x26: {  	[smem:$0x3F9A] =	sst s1;
	(tag) =	ssettag s2;
	_ =	strace s9  }
0x27: {  	s1 =	sld [smem:$0x3FAA]  }
0x28: {  	s2 =	sld [smem:$0x3FAB]  }
0x29: {  	s4 =	sld [smem:$0x3FAD]  }
0x2a: {  	p0 =	seq.s32 s5, $0x0;
	s5 =	sld [smem:$0x3FAE]  }
0x2b: {  	s6 =	sld [smem:$0x3FAF]  }
0x2c: {  	s7 =	sld [smem:$0x3FB0]  }
0x2d: {  	s3 =	simm.s32 $0x108;
	s8 =	sld [smem:$0x3FB1]  }
0x2e: {  	s3 =	simm.s32 @!p0 $0x1082;
	s9 =	sld [smem:$0x3FB2]  }
0x2f: {  	lr =	sadd.s32 s0, s3;
	s0 =	sld [smem:$0x3FA9]  }
0x30: {  	s3 =	sld [smem:$0x3FAC]  }
0x31: {  	[smem:$0x3FB5] =	sst s10  }
0x32: {  	s10 =	sld [smem:$0x3FB3];
	_ =	sdelay $0x3  }
0x33: {  	p0 =	seq.s32 s10, $0x1;
	s10 =	sld [smem:$0x3FB5];
	_ =	sdelay $0x3  }
0x34: {  	[smem:$0x3FB5] =	sst s10  }
0x35: {  	s10 =	sld [smem:$0x3FB4];
	_ =	sdelay $0x3  }
0x36: {  	p1 =	seq.s32 s10, $0x1;
	s10 =	sld [smem:$0x3FB5];
	_ =	sdelay $0x3  }
0x37: {  	[smem:$0x3FB5] =	sst s10  }
0x38: {  	s10 =	sld [smem:$0x3FB6]  }
0x39: {  	_ = 	snop;
	(pc) =	sbr.ind lr, $3  }
0x3a: {  	_ = 	snop  }
0x3b: {  	_ = 	snop  }
0x3c: {  	p2 =	seq.s32 s10, $0x1;
	s10 =	sld [smem:$0x3FB5]  }
0x3d: {  	_ =	shalt  }
0x3e: {  	_ =	shalt  }
0x3f: {  	_ =	shalt  }
0x40: {  	_ =	shalt  }
0x41: {  	_ =	shalt  }
0x42: {  	_ =	shalt  }
0x43: {  	_ =	shalt  }
0x44: {  	_ =	shalt  }
0x45: {  	_ =	shalt  }
0x46: {  	_ =	shalt  }
0x47: {  	_ =	shalt  }
0x48: {  	_ =	shalt  }
0x49: {  	_ =	shalt  }
0x4a: {  	_ =	shalt  }
0x4b: {  	_ =	shalt  }
0x4c: {  	_ =	shalt  }
0x4d: {  	_ =	shalt  }
0x4e: {  	_ =	shalt  }
0x4f: {  	_ =	shalt  }
0x50: {  	_ =	shalt  }
0x51: {  	_ =	shalt  }
0x52: {  	_ =	shalt  }
0x53: {  	_ =	shalt  }
0x54: {  	_ =	shalt  }
0x55: {  	_ =	shalt  }
0x56: {  	_ =	shalt  }
0x57: {  	_ =	shalt  }
0x58: {  	_ =	shalt  }
0x59: {  	_ =	shalt  }
0x5a: {  	_ =	shalt  }
0x5b: {  	_ =	shalt  }
0x5c: {  	_ =	shalt  }
0x5d: {  	_ =	shalt  }
0x5e: {  	_ =	shalt  }
0x5f: {  	_ =	shalt  }
0x60: {  	_ =	shalt  }
0x61: {  	_ =	shalt  }
0x62: {  	_ =	shalt  }
0x63: {  	_ =	shalt  }
0x64: {  	_ =	shalt  }
0x65: {  	_ =	shalt  }
0x66: {  	_ =	shalt  }
0x67: {  	_ =	shalt  }
0x68: {  	_ =	shalt  }
0x69: {  	_ =	shalt  }
0x6a: {  	_ =	shalt  }
0x6b: {  	_ =	shalt  }
0x6c: {  	_ =	shalt  }
0x6d: {  	_ =	shalt  }
0x6e: {  	_ =	shalt  }
0x6f: {  	_ =	shalt  }
0x70: {  	_ =	shalt  }
0x71: {  	_ =	shalt  }
0x72: {  	_ =	shalt  }
0x73: {  	_ =	shalt  }
0x74: {  	_ =	shalt  }
0x75: {  	_ =	shalt  }
0x76: {  	_ =	shalt  }
0x77: {  	_ =	shalt  }
0x78: {  	_ =	shalt  }
0x79: {  	_ =	shalt  }
0x7a: {  	_ =	shalt  }
0x7b: {  	_ =	shalt  }
0x7c: {  	_ =	shalt  }
0x7d: {  	_ =	shalt  }
0x7e: {  	_ =	shalt  }
0x7f: {  	_ =	shalt  }
0x80: {  	_ =	shalt  }
0x81: {  	_ =	shalt  }
0x82: {  	_ =	shalt  }
0x83: {  	_ =	shalt  }
0x84: {  	_ =	shalt  }
0x85: {  	_ =	shalt  }
0x86: {  	_ =	shalt  }
0x87: {  	_ =	shalt  }
.Lfunc_end0:
.L_simem_size_0:
called_computation.1_lowered:
.L_overlay_start_0:
0x88: {  	s2 =	sld [smem:$0x3FD9]  }
0x89: {  	s3 =	sld [smem:$0x3FFE];
	_ =	sdelay $0x1  }
0x8a: {  	s1 =	srdreg.scid  }
0x8b: {  	s0 =	sand.u32 $0x1, s1  }
0x8c: {  	s16 =	sshll.u32 s0, $0xA;
	s2 =	sadd.s32 s3, s2  }
0x8d: {  	s2 =	sadd.s32 s2, s16  }
0x8e: {  	[smem:$0x3FC1] =	sst s2  }
0x8f: {  	_ = 	snop  }
0x90: {  	(tm) =	ssettm $0x1  }
0x91: {  	s17 =	sld [smem:$0x3FFB];
	_ =	sdelay $0x3  }
0x92: {  	_ =	strace s17  }
0x93: {  	s2 =	sld [smem:$0x3FFC];
	_ =	sdelay $0x3  }
0x94: {  	_ =	strace s2  }
0x95: {  	s2 =	sld [smem:$0x3FFD];
	_ =	sdelay $0x3  }
0x96: {  	_ =	strace s2  }
0x97: {  	_ =	strace $0x8FFFFFFF  }
0x98: {  	s18 =	sld [smem:$0x3FDB];
	_ =	sdelay $0x1  }
0x99: {  	s19 =	simm.s32 $_scs_section_size  }
0x9a: {  	s4 =	simm.s32 $_size__tile_overlayer_lowered;
	s5 =	simm.s32 $_tile_overlayer_lowered  }
0x9b: {  	s22 =	simm.s32 $0x1BFF;
	s21 =	sshll.u32 s5, $0x1;
	s2 =	sadd.s32 s19, s18  }
0x9c: {  	s6 =	simm.s32 $0x0;
	s20 =	sshll.u32 s4, $0x1;
	s4 =	sadd.s32 s21, s2  }
0x9d: {  	[timem:s6], [sflag:s22] =	dma.local [hbm:s4], s20  }
0x9e: {  	_ =	swait.ge [sflag:s22], s20  }
0x9f: {  	s3 =	ssub.s32 $0x0, s20;
	[sflag:s22] =	ssyncset.done $0x0  }
0xa0: {  	[sflag:s22] =	ssyncadd.s32 s3;
	_ =	sdelay $0x1  }
0xa1: {  	s23 =	simm.s32 $0x1B8B  }
0xa2: {  	_ =	swait.ge [sflag:s23], $0x1  }
0xa3: {  	[sflag:s23] =	ssyncset.done $0x0  }
0xa4: {  	s25 =	simm.s32 $0x1B8E;
	s24 =	sld [smem:$0x3FFE];
	[sflag:s23] =	ssyncadd.s32 $0xFFFFFFFF  }
0xa5: {  	s26 =	simm.s32 $execute0_lowered;
	[smem:$0x3FD2] =	sst s25  }
0xa6: {  	s4 =	sshll.u32 s26, $0x1;
	_ =	strace $0x80000049;
	[dreg:$0x1] =	wrdreg $0xFFFFFFFF  }
0xa7: {  	s28 =	simm.s32 $_size_execute0_lowered;
	s2 =	sadd.s32 s2, s4;
	[dreg:$0x0] =	wrdreg $0x0  }
0xa8: {  	s4 =	sshll.u32 s28, $0x1;
	[dreg:$0x2] =	wrdreg s2  }
0xa9: {  	[dreg:$0x3] =	wrdreg s4  }
0xaa: {  	[dreg:$0x4] =	wrdreg $0xC0  }
0xab: {  	_ =	task [dreg:s6], $0x5FFFF  }
0xac: {  	[dreg:$0x1] =	wrdreg $0xFFFFFFFF  }
0xad: {  	[dreg:$0x0] =	wrdreg $0x60  }
0xae: {  	[dreg:$0x2] =	wrdreg s24  }
0xaf: {  	[dreg:$0x3] =	wrdreg $0x9  }
0xb0: {  	_ =	task.clear_ibuf [dreg:s6], $0x4FFFF;
	_ =	strace $0x90000049  }
0xb1: {  	s29 =	simm.s32 $0x9;
	_ =	strace $0x8000004B  }
0xb2: {  	_ =	swait.ge [sflag:s29], $0x1  }
0xb3: {  	[sflag:s29] =	ssyncadd.s32 $0xFFFFFFFF  }
0xb4: {  	_ =	strace $0x9000004B  }
0xb5: {  	_ =	sfence  }
0xb6: {  	s30 =	sld [smem:$0x0];
	_ =	sdelay $0x2  }
0xb7: {  	s31 =	sshll.u32 s1, $0xD;
	s1 =	sshrl.u32 s1, $0x2  }
0xb8: {  	s3 =	sand.u32 $0x4000, s31;
	s1 =	sadd.s32 s1, s30  }
0xb9: {  	s0 =	sor.u32 s3, s0;
	s1 =	sshll.u32 s1, $0x11  }
0xba: {  	s0 =	sor.u32 s1, s0  }
0xbb: {  	s0 =	sadd.s32 $0x8F2B, s0  }
0xbc: {  	[sflag:s0] =	ssyncadd.remote.s32 $0x1  }
0xbd: {  	_ =	sfence.sel $0xFFFF  }
0xbe: {  	[dreg:$0x0] =	wrdreg $0xFFFFFFFF;
	(pc) =	sbr.abs _section_cstart, $3  }
0xbf: {  	[dreg:$0x1] =	wrdreg $0xFFFFFFFF  }
0xc0: {  	_ =	task.clear_ibuf [dreg:s6], $0x2FFFF;
	_ =	strace $0x9FFFFFFF  }
0xc1: {  	(tm) =	ssettm $0x7FFFFFFF  }
tec
execute0_lowered:
.L_overlay_start_1:
0x0: {  	(tag) =	ssettag $0x1  }
0x1: {  	s0 =	rddreg [dreg:$0x0];
	s1 =	srdreg.scid  }
0x2: {  	s2 =	simm.s32 $0x0;
	s3 =	stileid.u32;
	s9 =	simm.s32 $0x1  }
0x3: {  	s21 =	simm.s32 $0x3;
	s22 =	simm.s32 $0x4;
	s24 =	simm.s32 $0x880  }
0x4: {  	s28 =	simm.s32 $0x1880;
	s29 =	simm.s32 $0x2080;
	s30 =	simm.s32 $0x2880  }
0x5: {  	s31 =	simm.s32 $0x3080;
	s11 =	simm.s32 $0x4880;
	s12 =	simm.s32 $0x5080  }
0x6: {  	s13 =	simm.s32 $0x5880;
	s14 =	simm.s32 $0x6080;
	s15 =	simm.s32 $0x6880  }
0x7: {  	s16 =	simm.s32 $0x7080;
	s17 =	simm.s32 $0x7880;
	s20 =	simm.s32 $0x8080  }
0x8: {  	s18 =	simm.s32 $0x8880;
	s19 =	simm.s32 $0x9080;
	s1 =	sand.u32 $0x1, s1  }
0x9: {  	[smem:$0x7FF] =	sst s2;
	s3 =	sshll.u32 s3, $0x8;
	s4 =	sshll.u32 s1, $0x7  }
0xa: {  	s7 =	sadd.s32 $0xC0700, s0;
	_ =	strace $0x8000004A;
	s4 =	sor.u32 s4, s3  }
0xb: {  	s1 =	ssub.s32 $0x2, s1;
	s5 =	sshrl.u32 s4, $0x3;
	s4 =	sshll.u32 s4, $0x7  }
0xc: {  	s3 =	sadd.s32 $0xC0400, s0;
	s5 =	sadd.s32 s5, s0;
	s8 =	sadd.s32 s0, s4  }
0xd: {  	s6 =	sshrl.u32 s1, $0x1;
	s5 =	sadd.s32 $0xC0200, s5;
	[dreg:$0x6] =	wrdreg s8  }
0xe: {  	s1 =	ssub.s32 s1, s6;
	s4 =	sadd.s32 $0x1000, s8;
	[dreg:$0x2] =	wrdreg s5  }
0xf: {  	s6 =	sadd.s32 $0xC0600, s0;
	s25 =	sadd.s32 $0x2000, s8;
	[dreg:$0x3] =	wrdreg s4  }
0x10: {  	v2 =	vlaneseq.u32;
	s26 =	sadd.s32 $0x3000, s8;
	s8 =	smax.u32 s1, $0x1;
	[dreg:$0x4] =	wrdreg s25  }
0x11: {  	vm0 =	vmmov $0xffff;
	v1 =	vshrl.u32 v2, $0x3;
	s1 =	simm.s32 $0x4080;
	s5 =	sadd.s32 $0xC0500, s0;
	[dreg:$0x5] =	wrdreg s26  }
0x12: {  	v0 =	vand.u32 $0x7, v2;
	v2 =	vor.u32 $0x8, v2;
	v1 =	vmul.u32 $0x8, v1;
	s4 =	simm.s32 $0x2;
	s26 =	simm.s32 $0x80;
	s25 =	simm.s32 $0x1080  }
.LBB2_1:
0x13: {  	s23 =	rddreg [dreg:$0x2];
	s0 =	simm.s32 $0x5  }
0x14: {  	[tilespmem:s2], [sflag:$0x5] =	stream.linear.gather [hbm4b:s23+s2], $0x80, $0x38;
	[tilespmem:$0x10080] =	vst v63  }
0x15: {  	_ =	swait.ge [sflag:s0], $0x80  }
0x16: {  	[sflag:s0] =	ssyncset.done $0x0  }
0x17: {  	[sflag:s0] =	ssyncadd.s32 $0xFFFFFF80  }
0x18: {  	v3 =	vld [tilespmem:$0x0];
	_ =	sdelay $0x4  }
0x19: {  	v4 =	vshll.u32 v3, $0x3  }
0x1a: {  	v3 =	vand.u32 $0x7, v3;
	v4 =	vand.u32 $0xFFFFFFC0, v4  }
0x1b: {  	v3 =	vor.u32 v3, v4  }
0x1c: {  	v4 =	vperm.xlane v3, v0;
	_ =	sdelay $0x1  }
0x1d: {  	v4 =	vadd.s32 v1, v4;
	_ =	sdelay $0x4  }
0x1e: {  	[tilespmem:s26], [sflag:$0x1] =	stream.indirect_vreg.gather [hbm4b:s3+s2], $0x80, v4, vm0, $0xb8;
	[tilespmem:$0x10080] =	vst v63  }
0x1f: {  	v3 =	vperm.xlane v3, v2  }
0x20: {  	[tilespmem:s24], [sflag:$0x1] =	stream.indirect_vreg.gather [hbm4b:s5+s2], $0x80, v4, vm0, $0xb8;
	[tilespmem:$0x10080] =	vst v63  }
0x21: {  	v3 =	vadd.s32 v1, v3  }
0x22: {  	[tilespmem:s25], [sflag:$0x1] =	stream.indirect_vreg.gather [hbm4b:s6+s2], $0x80, v4, vm0, $0xb8;
	[tilespmem:$0x10080] =	vst v63  }
0x23: {  	_ = 	snop  }
0x24: {  	[tilespmem:s28], [sflag:$0x1] =	stream.indirect_vreg.gather [hbm4b:s7+s2], $0x80, v4, vm0, $0xb8;
	[tilespmem:$0x10080] =	vst v63  }
0x25: {  	_ = 	snop  }
0x26: {  	[tilespmem:s29], [sflag:$0x1] =	stream.indirect_vreg.gather [hbm4b:s3+s2], $0x80, v3, vm0, $0xb8;
	[tilespmem:$0x10080] =	vst v63  }
0x27: {  	_ = 	snop  }
0x28: {  	[tilespmem:s30], [sflag:$0x1] =	stream.indirect_vreg.gather [hbm4b:s5+s2], $0x80, v3, vm0, $0xb8;
	[tilespmem:$0x10080] =	vst v63  }
0x29: {  	_ = 	snop  }
0x2a: {  	[tilespmem:s31], [sflag:$0x1] =	stream.indirect_vreg.gather [hbm4b:s6+s2], $0x80, v3, vm0, $0xb8;
	[tilespmem:$0x10080] =	vst v63  }
0x2b: {  	s0 =	simm.s32 $0x3880  }
0x2c: {  	[tilespmem:s0], [sflag:$0x1] =	stream.indirect_vreg.gather [hbm4b:s7+s2], $0x80, v3, vm0, $0xb8;
	[tilespmem:$0x10080] =	vst v63  }
0x2d: {  	v3 =	vld [tilespmem:$0x10];
	_ =	sdelay $0x4  }
0x2e: {  	v57 =	vshll.u32 v3, $0x3  }
0x2f: {  	v3 =	vand.u32 $0x7, v3;
	v4 =	vand.u32 $0xFFFFFFC0, v57  }
0x30: {  	v3 =	vor.u32 v3, v4  }
0x31: {  	v4 =	vperm.xlane v3, v0;
	_ =	sdelay $0x1  }
0x32: {  	v4 =	vadd.s32 v1, v4;
	_ =	sdelay $0x4  }
0x33: {  	[tilespmem:s1], [sflag:$0x1] =	stream.indirect_vreg.gather [hbm4b:s3+s2], $0x80, v4, vm0, $0xb8;
	[tilespmem:$0x10080] =	vst v63  }
0x34: {  	v3 =	vperm.xlane v3, v2  }
0x35: {  	[tilespmem:s11], [sflag:$0x1] =	stream.indirect_vreg.gather [hbm4b:s5+s2], $0x80, v4, vm0, $0xb8;
	[tilespmem:$0x10080] =	vst v63  }
0x36: {  	v3 =	vadd.s32 v1, v3  }
0x37: {  	[tilespmem:s12], [sflag:$0x1] =	stream.indirect_vreg.gather [hbm4b:s6+s2], $0x80, v4, vm0, $0xb8;
	[tilespmem:$0x10080] =	vst v63  }
0x38: {  	_ = 	snop  }
0x39: {  	[tilespmem:s13], [sflag:$0x1] =	stream.indirect_vreg.gather [hbm4b:s7+s2], $0x80, v4, vm0, $0xb8;
	[tilespmem:$0x10080] =	vst v63  }
0x3a: {  	_ = 	snop  }
0x3b: {  	[tilespmem:s14], [sflag:$0x1] =	stream.indirect_vreg.gather [hbm4b:s3+s2], $0x80, v3, vm0, $0xb8;
	[tilespmem:$0x10080] =	vst v63  }
0x3c: {  	_ = 	snop  }
0x3d: {  	[tilespmem:s15], [sflag:$0x1] =	stream.indirect_vreg.gather [hbm4b:s5+s2], $0x80, v3, vm0, $0xb8;
	[tilespmem:$0x10080] =	vst v63  }
0x3e: {  	_ = 	snop  }
0x3f: {  	[tilespmem:s16], [sflag:$0x1] =	stream.indirect_vreg.gather [hbm4b:s6+s2], $0x80, v3, vm0, $0xb8;
	[tilespmem:$0x10080] =	vst v63  }
0x40: {  	_ = 	snop  }
0x41: {  	[tilespmem:s17], [sflag:$0x1] =	stream.indirect_vreg.gather [hbm4b:s7+s2], $0x80, v3, vm0, $0xb8;
	[tilespmem:$0x10080] =	vst v63  }
0x42: {  	v3 =	vld [tilespmem:$0x20];
	_ =	sdelay $0x4  }
0x43: {  	v58 =	vshll.u32 v3, $0x3  }
0x44: {  	v3 =	vand.u32 $0x7, v3;
	v4 =	vand.u32 $0xFFFFFFC0, v58  }
0x45: {  	v3 =	vor.u32 v3, v4  }
0x46: {  	v4 =	vperm.xlane v3, v0;
	_ =	sdelay $0x1  }
0x47: {  	v4 =	vadd.s32 v1, v4;
	_ =	sdelay $0x4  }
0x48: {  	[tilespmem:s20], [sflag:$0x2] =	stream.indirect_vreg.gather [hbm4b:s3+s2], $0x80, v4, vm0, $0xb8;
	[tilespmem:$0x10080] =	vst v63  }
0x49: {  	v3 =	vperm.xlane v3, v2  }
0x4a: {  	[tilespmem:s18], [sflag:$0x2] =	stream.indirect_vreg.gather [hbm4b:s5+s2], $0x80, v4, vm0, $0xb8;
	[tilespmem:$0x10080] =	vst v63  }
0x4b: {  	v3 =	vadd.s32 v1, v3  }
0x4c: {  	[tilespmem:s19], [sflag:$0x2] =	stream.indirect_vreg.gather [hbm4b:s6+s2], $0x80, v4, vm0, $0xb8;
	[tilespmem:$0x10080] =	vst v63  }
0x4d: {  	s10 =	simm.s32 $0x9880  }
0x4e: {  	[tilespmem:s10], [sflag:$0x2] =	stream.indirect_vreg.gather [hbm4b:s7+s2], $0x80, v4, vm0, $0xb8;
	[tilespmem:$0x10080] =	vst v63  }
0x4f: {  	s10 =	simm.s32 $0xA080  }
0x50: {  	[tilespmem:s10], [sflag:$0x2] =	stream.indirect_vreg.gather [hbm4b:s3+s2], $0x80, v3, vm0, $0xb8;
	[tilespmem:$0x10080] =	vst v63  }
0x51: {  	s23 =	simm.s32 $0xA880  }
0x52: {  	[tilespmem:s23], [sflag:$0x2] =	stream.indirect_vreg.gather [hbm4b:s5+s2], $0x80, v3, vm0, $0xb8;
	[tilespmem:$0x10080] =	vst v63  }
0x53: {  	s23 =	simm.s32 $0xB080  }
0x54: {  	[tilespmem:s23], [sflag:$0x2] =	stream.indirect_vreg.gather [hbm4b:s6+s2], $0x80, v3, vm0, $0xb8;
	[tilespmem:$0x10080] =	vst v63  }
0x55: {  	s23 =	simm.s32 $0xB880  }
0x56: {  	[tilespmem:s23], [sflag:$0x2] =	stream.indirect_vreg.gather [hbm4b:s7+s2], $0x80, v3, vm0, $0xb8;
	[tilespmem:$0x10080] =	vst v63  }
0x57: {  	v3 =	vld [tilespmem:$0x30];
	_ =	sdelay $0x4  }
0x58: {  	v59 =	vshll.u32 v3, $0x3  }
0x59: {  	v3 =	vand.u32 $0x7, v3;
	v4 =	vand.u32 $0xFFFFFFC0, v59  }
0x5a: {  	v3 =	vor.u32 v3, v4  }
0x5b: {  	v4 =	vperm.xlane v3, v0;
	_ =	sdelay $0x1  }
0x5c: {  	v4 =	vadd.s32 v1, v4;
	_ =	sdelay $0x3  }
0x5d: {  	s23 =	simm.s32 $0xC080  }
0x5e: {  	[tilespmem:s23], [sflag:$0x2] =	stream.indirect_vreg.gather [hbm4b:s3+s2], $0x80, v4, vm0, $0xb8;
	[tilespmem:$0x10080] =	vst v63  }
0x5f: {  	v3 =	vperm.xlane v3, v2;
	s23 =	simm.s32 $0xC880  }
0x60: {  	[tilespmem:s23], [sflag:$0x2] =	stream.indirect_vreg.gather [hbm4b:s5+s2], $0x80, v4, vm0, $0xb8;
	[tilespmem:$0x10080] =	vst v63  }
0x61: {  	v3 =	vadd.s32 v1, v3;
	s23 =	simm.s32 $0xD080  }
0x62: {  	[tilespmem:s23], [sflag:$0x2] =	stream.indirect_vreg.gather [hbm4b:s6+s2], $0x80, v4, vm0, $0xb8;
	[tilespmem:$0x10080] =	vst v63  }
0x63: {  	s23 =	simm.s32 $0xD880  }
0x64: {  	[tilespmem:s23], [sflag:$0x2] =	stream.indirect_vreg.gather [hbm4b:s7+s2], $0x80, v4, vm0, $0xb8;
	[tilespmem:$0x10080] =	vst v63  }
0x65: {  	s23 =	simm.s32 $0xE080  }
0x66: {  	[tilespmem:s23], [sflag:$0x2] =	stream.indirect_vreg.gather [hbm4b:s3+s2], $0x80, v3, vm0, $0xb8;
	[tilespmem:$0x10080] =	vst v63  }
0x67: {  	s23 =	simm.s32 $0xE880  }
0x68: {  	[tilespmem:s23], [sflag:$0x2] =	stream.indirect_vreg.gather [hbm4b:s5+s2], $0x80, v3, vm0, $0xb8;
	[tilespmem:$0x10080] =	vst v63  }
0x69: {  	s23 =	simm.s32 $0xF080  }
0x6a: {  	[tilespmem:s23], [sflag:$0x2] =	stream.indirect_vreg.gather [hbm4b:s6+s2], $0x80, v3, vm0, $0xb8;
	[tilespmem:$0x10080] =	vst v63  }
0x6b: {  	s23 =	simm.s32 $0xF880  }
0x6c: {  	[tilespmem:s23], [sflag:$0x2] =	stream.indirect_vreg.gather [hbm4b:s7+s2], $0x80, v3, vm0, $0xb8;
	[tilespmem:$0x10080] =	vst v63  }
0x6d: {  	_ =	swait.ge [sflag:s9], $0x8000  }
0x6e: {  	[sflag:s9] =	ssyncset.done $0x0  }
0x6f: {  	s23 =	rddreg [dreg:$0x6];
	[sflag:s9] =	ssyncadd.s32 $0xFFFF8000  }
0x70: {  	[hbm4b:s23+s2] =	stream.linear.scatter [tilespmem:s26], [sflag:$0x3], $0x8000, $0x38;
	[tilespmem:$0x10080] =	vst v63  }
0x71: {  	_ =	swait.ge [sflag:s21], $0x8000  }
0x72: {  	[sflag:s21] =	ssyncset.done $0x0  }
0x73: {  	[sflag:s21] =	ssyncadd.s32 $0xFFFF8000  }
0x74: {  	v3 =	vld [tilespmem:$0x40];
	_ =	sdelay $0x4  }
0x75: {  	v60 =	vshll.u32 v3, $0x3  }
0x76: {  	v3 =	vand.u32 $0x7, v3;
	v4 =	vand.u32 $0xFFFFFFC0, v60  }
0x77: {  	v3 =	vor.u32 v3, v4  }
0x78: {  	v4 =	vperm.xlane v3, v0;
	_ =	sdelay $0x1  }
0x79: {  	v4 =	vadd.s32 v1, v4;
	_ =	sdelay $0x4  }
0x7a: {  	[tilespmem:s26], [sflag:$0x1] =	stream.indirect_vreg.gather [hbm4b:s3+s2], $0x80, v4, vm0, $0xb8;
	[tilespmem:$0x10080] =	vst v63  }
0x7b: {  	v3 =	vperm.xlane v3, v2  }
0x7c: {  	[tilespmem:s24], [sflag:$0x1] =	stream.indirect_vreg.gather [hbm4b:s5+s2], $0x80, v4, vm0, $0xb8;
	[tilespmem:$0x10080] =	vst v63  }
0x7d: {  	v3 =	vadd.s32 v1, v3  }
0x7e: {  	[tilespmem:s25], [sflag:$0x1] =	stream.indirect_vreg.gather [hbm4b:s6+s2], $0x80, v4, vm0, $0xb8;
	[tilespmem:$0x10080] =	vst v63  }
0x7f: {  	_ = 	snop  }
0x80: {  	[tilespmem:s28], [sflag:$0x1] =	stream.indirect_vreg.gather [hbm4b:s7+s2], $0x80, v4, vm0, $0xb8;
	[tilespmem:$0x10080] =	vst v63  }
0x81: {  	_ = 	snop  }
0x82: {  	[tilespmem:s29], [sflag:$0x1] =	stream.indirect_vreg.gather [hbm4b:s3+s2], $0x80, v3, vm0, $0xb8;
	[tilespmem:$0x10080] =	vst v63  }
0x83: {  	_ = 	snop  }
0x84: {  	[tilespmem:s30], [sflag:$0x1] =	stream.indirect_vreg.gather [hbm4b:s5+s2], $0x80, v3, vm0, $0xb8;
	[tilespmem:$0x10080] =	vst v63  }
0x85: {  	_ = 	snop  }
0x86: {  	[tilespmem:s31], [sflag:$0x1] =	stream.indirect_vreg.gather [hbm4b:s6+s2], $0x80, v3, vm0, $0xb8;
	[tilespmem:$0x10080] =	vst v63  }
0x87: {  	_ = 	snop  }
0x88: {  	[tilespmem:s0], [sflag:$0x1] =	stream.indirect_vreg.gather [hbm4b:s7+s2], $0x80, v3, vm0, $0xb8;
	[tilespmem:$0x10080] =	vst v63  }
0x89: {  	v3 =	vld [tilespmem:$0x50];
	_ =	sdelay $0x4  }
0x8a: {  	v61 =	vshll.u32 v3, $0x3  }
0x8b: {  	v3 =	vand.u32 $0x7, v3;
	v4 =	vand.u32 $0xFFFFFFC0, v61  }
0x8c: {  	v3 =	vor.u32 v3, v4  }
0x8d: {  	v4 =	vperm.xlane v3, v0;
	_ =	sdelay $0x1  }
0x8e: {  	v4 =	vadd.s32 v1, v4;
	_ =	sdelay $0x4  }
0x8f: {  	[tilespmem:s1], [sflag:$0x1] =	stream.indirect_vreg.gather [hbm4b:s3+s2], $0x80, v4, vm0, $0xb8;
	[tilespmem:$0x10080] =	vst v63  }
0x90: {  	v3 =	vperm.xlane v3, v2  }
0x91: {  	[tilespmem:s11], [sflag:$0x1] =	stream.indirect_vreg.gather [hbm4b:s5+s2], $0x80, v4, vm0, $0xb8;
	[tilespmem:$0x10080] =	vst v63  }
0x92: {  	v3 =	vadd.s32 v1, v3  }
0x93: {  	[tilespmem:s12], [sflag:$0x1] =	stream.indirect_vreg.gather [hbm4b:s6+s2], $0x80, v4, vm0, $0xb8;
	[tilespmem:$0x10080] =	vst v63  }
0x94: {  	_ = 	snop  }
0x95: {  	[tilespmem:s13], [sflag:$0x1] =	stream.indirect_vreg.gather [hbm4b:s7+s2], $0x80, v4, vm0, $0xb8;
	[tilespmem:$0x10080] =	vst v63  }
0x96: {  	_ = 	snop  }
0x97: {  	[tilespmem:s14], [sflag:$0x1] =	stream.indirect_vreg.gather [hbm4b:s3+s2], $0x80, v3, vm0, $0xb8;
	[tilespmem:$0x10080] =	vst v63  }
0x98: {  	_ = 	snop  }
0x99: {  	[tilespmem:s15], [sflag:$0x1] =	stream.indirect_vreg.gather [hbm4b:s5+s2], $0x80, v3, vm0, $0xb8;
	[tilespmem:$0x10080] =	vst v63  }
0x9a: {  	_ = 	snop  }
0x9b: {  	[tilespmem:s16], [sflag:$0x1] =	stream.indirect_vreg.gather [hbm4b:s6+s2], $0x80, v3, vm0, $0xb8;
	[tilespmem:$0x10080] =	vst v63  }
0x9c: {  	_ = 	snop  }
0x9d: {  	[tilespmem:s17], [sflag:$0x1] =	stream.indirect_vreg.gather [hbm4b:s7+s2], $0x80, v3, vm0, $0xb8;
	[tilespmem:$0x10080] =	vst v63  }
0x9e: {  	_ =	swait.ge [sflag:s4], $0x8000  }
0x9f: {  	[sflag:s4] =	ssyncset.done $0x0  }
0xa0: {  	s0 =	rddreg [dreg:$0x3];
	[sflag:s4] =	ssyncadd.s32 $0xFFFF8000  }
0xa1: {  	[hbm4b:s0+s2] =	stream.linear.scatter [tilespmem:s20], [sflag:$0x4], $0x8000, $0x38;
	[tilespmem:$0x10080] =	vst v63  }
0xa2: {  	_ =	swait.ge [sflag:s22], $0x8000  }
0xa3: {  	[sflag:s22] =	ssyncset.done $0x0  }
0xa4: {  	[sflag:s22] =	ssyncadd.s32 $0xFFFF8000  }
0xa5: {  	v3 =	vld [tilespmem:$0x60];
	_ =	sdelay $0x4  }
0xa6: {  	v62 =	vshll.u32 v3, $0x3  }
0xa7: {  	v3 =	vand.u32 $0x7, v3;
	v4 =	vand.u32 $0xFFFFFFC0, v62  }
0xa8: {  	v3 =	vor.u32 v3, v4  }
0xa9: {  	v4 =	vperm.xlane v3, v0;
	_ =	sdelay $0x1  }
0xaa: {  	v4 =	vadd.s32 v1, v4;
	_ =	sdelay $0x4  }
0xab: {  	[tilespmem:s20], [sflag:$0x2] =	stream.indirect_vreg.gather [hbm4b:s3+s2], $0x80, v4, vm0, $0xb8;
	[tilespmem:$0x10080] =	vst v63  }
0xac: {  	v3 =	vperm.xlane v3, v2  }
0xad: {  	[tilespmem:s18], [sflag:$0x2] =	stream.indirect_vreg.gather [hbm4b:s5+s2], $0x80, v4, vm0, $0xb8;
	[tilespmem:$0x10080] =	vst v63  }
0xae: {  	v3 =	vadd.s32 v1, v3  }
0xaf: {  	[tilespmem:s19], [sflag:$0x2] =	stream.indirect_vreg.gather [hbm4b:s6+s2], $0x80, v4, vm0, $0xb8;
	[tilespmem:$0x10080] =	vst v63  }
0xb0: {  	s23 =	simm.s32 $0x9880  }
0xb1: {  	[tilespmem:s23], [sflag:$0x2] =	stream.indirect_vreg.gather [hbm4b:s7+s2], $0x80, v4, vm0, $0xb8;
	[tilespmem:$0x10080] =	vst v63  }
0xb2: {  	_ = 	snop  }
0xb3: {  	[tilespmem:s10], [sflag:$0x2] =	stream.indirect_vreg.gather [hbm4b:s3+s2], $0x80, v3, vm0, $0xb8;
	[tilespmem:$0x10080] =	vst v63  }
0xb4: {  	s23 =	simm.s32 $0xA880  }
0xb5: {  	[tilespmem:s23], [sflag:$0x2] =	stream.indirect_vreg.gather [hbm4b:s5+s2], $0x80, v3, vm0, $0xb8;
	[tilespmem:$0x10080] =	vst v63  }
0xb6: {  	s10 =	simm.s32 $0xB080  }
0xb7: {  	[tilespmem:s10], [sflag:$0x2] =	stream.indirect_vreg.gather [hbm4b:s6+s2], $0x80, v3, vm0, $0xb8;
	[tilespmem:$0x10080] =	vst v63  }
0xb8: {  	s23 =	simm.s32 $0xB880  }
0xb9: {  	[tilespmem:s23], [sflag:$0x2] =	stream.indirect_vreg.gather [hbm4b:s7+s2], $0x80, v3, vm0, $0xb8;
	[tilespmem:$0x10080] =	vst v63  }
0xba: {  	v3 =	vld [tilespmem:$0x70];
	_ =	sdelay $0x4  }
0xbb: {  	v63 =	vshll.u32 v3, $0x3  }
0xbc: {  	v3 =	vand.u32 $0x7, v3;
	v4 =	vand.u32 $0xFFFFFFC0, v63  }
0xbd: {  	v3 =	vor.u32 v3, v4  }
0xbe: {  	v4 =	vperm.xlane v3, v0;
	_ =	sdelay $0x1  }
0xbf: {  	v4 =	vadd.s32 v1, v4;
	_ =	sdelay $0x3  }
0xc0: {  	s10 =	simm.s32 $0xC080  }
0xc1: {  	[tilespmem:s10], [sflag:$0x2] =	stream.indirect_vreg.gather [hbm4b:s3+s2], $0x80, v4, vm0, $0xb8;
	[tilespmem:$0x10080] =	vst v63  }
0xc2: {  	s23 =	simm.s32 $0xC880;
	v3 =	vperm.xlane v3, v2  }
0xc3: {  	[tilespmem:s23], [sflag:$0x2] =	stream.indirect_vreg.gather [hbm4b:s5+s2], $0x80, v4, vm0, $0xb8;
	[tilespmem:$0x10080] =	vst v63  }
0xc4: {  	v3 =	vadd.s32 v1, v3;
	s10 =	simm.s32 $0xD080  }
0xc5: {  	[tilespmem:s10], [sflag:$0x2] =	stream.indirect_vreg.gather [hbm4b:s6+s2], $0x80, v4, vm0, $0xb8;
	[tilespmem:$0x10080] =	vst v63  }
0xc6: {  	s23 =	simm.s32 $0xD880  }
0xc7: {  	[tilespmem:s23], [sflag:$0x2] =	stream.indirect_vreg.gather [hbm4b:s7+s2], $0x80, v4, vm0, $0xb8;
	[tilespmem:$0x10080] =	vst v63  }
0xc8: {  	s10 =	simm.s32 $0xE080  }
0xc9: {  	[tilespmem:s10], [sflag:$0x2] =	stream.indirect_vreg.gather [hbm4b:s3+s2], $0x80, v3, vm0, $0xb8;
	[tilespmem:$0x10080] =	vst v63  }
0xca: {  	s23 =	simm.s32 $0xE880  }
0xcb: {  	[tilespmem:s23], [sflag:$0x2] =	stream.indirect_vreg.gather [hbm4b:s5+s2], $0x80, v3, vm0, $0xb8;
	[tilespmem:$0x10080] =	vst v63  }
0xcc: {  	s10 =	simm.s32 $0xF080  }
0xcd: {  	[tilespmem:s10], [sflag:$0x2] =	stream.indirect_vreg.gather [hbm4b:s6+s2], $0x80, v3, vm0, $0xb8;
	[tilespmem:$0x10080] =	vst v63  }
0xce: {  	s23 =	simm.s32 $0xF880  }
0xcf: {  	[tilespmem:s23], [sflag:$0x2] =	stream.indirect_vreg.gather [hbm4b:s7+s2], $0x80, v3, vm0, $0xb8;
	[tilespmem:$0x10080] =	vst v63  }
0xd0: {  	_ =	swait.ge [sflag:s9], $0x8000  }
0xd1: {  	[sflag:s9] =	ssyncset.done $0x0  }
0xd2: {  	s0 =	rddreg [dreg:$0x4];
	[sflag:s9] =	ssyncadd.s32 $0xFFFF8000  }
0xd3: {  	[hbm4b:s0+s2] =	stream.linear.scatter [tilespmem:s26], [sflag:$0x3], $0x8000, $0x38;
	[tilespmem:$0x10080] =	vst v63  }
0xd4: {  	_ =	swait.ge [sflag:s4], $0x8000  }
0xd5: {  	[sflag:s4] =	ssyncset.done $0x0  }
0xd6: {  	s10 =	rddreg [dreg:$0x5];
	[sflag:s4] =	ssyncadd.s32 $0xFFFF8000  }
0xd7: {  	[hbm4b:s10+s2] =	stream.linear.scatter [tilespmem:s20], [sflag:$0x4], $0x8000, $0x38;
	[tilespmem:$0x10080] =	vst v63  }
0xd8: {  	p0 =	sne.s32 s8, $0x1;
	_ =	swait.ge [sflag:s21], $0x8000  }
.Ltmp0:
0xd9: {  	[sflag:s21] =	ssyncset.done $0x0;
	(pc) =	sbr.rel @p0 .LBB2_1-.Ltmp0, $4  }
0xda: {  	[sflag:s21] =	ssyncadd.s32 $0xFFFF8000  }
0xdb: {  	_ =	swait.ge [sflag:s22], $0x8000  }
0xdc: {  	[sflag:s22] =	ssyncset.done $0x0  }
0xdd: {  	s8 =	sadd.s32 $0xFFFFFFFF, s8;
	[sflag:s22] =	ssyncadd.s32 $0xFFFF8000  }
0xde: {  	_ =	sfence.sel $0x180000  }
0xdf: {  	[bflag:$0x0] =	sbarrier.arrive $0xFFFF  }
0xe0: {  	_ =	strace $0x9000004A  }
0xe1: {  	s0 =	stileid.u32;
	[bflag:$0x2] =	sbarrier.arrive $0xFFFF  }
0xe2: {  	p0 =	sne.s32 s0, $0x0;
	s0 =	rddreg [dreg:$0x1]  }
0xe3: {  	s0 =	sadd.s32 @!p0 $0x100000, s0  }
0xe4: {  	[sflag:s0] =	ssyncadd.tile.s32 @!p0 $0x1;
	_ =	shalt  }
.Lfunc_end2:
_tile_overlayer_lowered:
.L_overlay_start_2:
0xe5: {  	(tag) =	ssettag $0x2  }
0xe6: {  	s0 =	rddreg [dreg:$0x0];
	s2 =	stileid.u32  }
0xe7: {  	s1 =	rddreg [dreg:$0x1];
	p0 =	sne.s32 s2, $0x0  }
0xe8: {  	s3 =	rddreg [dreg:$0x2];
	[bflag:$0x3] =	sbarrier.arrive $0xFFFF;
	s2 =	simm.s32 @!p0 $0x1C05  }
0xe9: {  	[timem:s3], [sflag:s2] =	dma.local @!p0 [hbm:s0], s1  }
0xea: {  	s0 =	simm.s32 @!p0 $0x5  }
0xeb: {  	_ =	swait.ge @!p0 [sflag:s0], s1  }
0xec: {  	s1 =	ssub.s32 @!p0 $0x0, s1;
	[sflag:s0] =	ssyncset.done @!p0 $0x0  }
0xed: {  	[sflag:s0] =	ssyncadd.s32 @!p0 s1  }
0xee: {  	[bflag:$0x3] =	sbarrier.arrive $0xFFFF  }
0xef: {  	_ =	shalt  }

// kernel: kernel.8.cloned.1.call-start
scs
__scs_entry_jumppad:
0x0: {  	(pc) =	sbr.rel $0x88, $3  }
0x1: {  	(tag) =	ssettag $0x0;
	lr =	simm.s32 $0x1  }
0x2: {  	[smem:$0x3F9A] =	sst lr;
	_ =	strace $0xD0000000  }
0x3: {  	_ = 	snop  }
0x4: {  	_ = 	snop  }
0x5: {  	_ = 	snop  }
0x6: {  	_ = 	snop  }
0x7: {  	_ = 	snop  }
__scs_overlays_trampoline_lowered:
0x8: {  	[smem:$0x3FA9] =	sst s0  }
0x9: {  	[smem:$0x3FAA] =	sst s1  }
0xa: {  	[smem:$0x3FAB] =	sst s2  }
0xb: {  	[smem:$0x3FAC] =	sst s3  }
0xc: {  	[smem:$0x3FAD] =	sst s4  }
0xd: {  	[smem:$0x3FAE] =	sst s5  }
0xe: {  	[smem:$0x3FAF] =	sst s6  }
0xf: {  	[smem:$0x3FB0] =	sst s7  }
0x10: {  	[smem:$0x3FB1] =	sst s8  }
0x11: {  	[smem:$0x3FB2] =	sst s9;
	s0 =	simm.s32 @!p0 $0x0  }
0x12: {  	s1 =	sld [smem:$0x3F98];
	s0 =	simm.s32 @p0 $0x1  }
0x13: {  	[smem:$0x3FB3] =	sst s0;
	s0 =	simm.s32 @!p1 $0x0  }
0x14: {  	s2 =	sld [smem:$0x3F97];
	s0 =	simm.s32 @p1 $0x1  }
0x15: {  	[smem:$0x3FB4] =	sst s0;
	s0 =	simm.s32 @!p2 $0x0  }
0x16: {  	s3 =	sld [smem:$0x3FDB];
	s0 =	simm.s32 @p2 $0x1  }
0x17: {  	s4 =	simm.s32 $0x1BF5;
	[smem:$0x3FB6] =	sst s0  }
0x18: {  	s0 =	sld [smem:$0x3F99];
	_ =	swait.ge [sflag:s4], $0x0  }
0x19: {  	s7 =	sld [smem:$0x3F9A]  }
0x1a: {  	s8 =	sadd.s32 $0xFFFFE003, lr  }
0x1b: {  	s9 =	sadd.s32 $0xFFFFFEF7, lr;
	s5 =	simm.s32 $0xFFFFFFFF;
	p2 =	slt.u32 s8, $0xFFFFF086  }
0x1c: {  	p1 =	slt.u32 s9, $0xF7A;
	s5 =	simm.s32 @!p2 $0x0  }
0x1d: {  	s5 =	simm.s32 @p1 $0x1;
	p0 =	seq.s32 s7, s2  }
0x1e: {  	s7 =	smul.u32 @!p0 $0xF7A, s2;
	p2 =	seq.s32 @!p0 s5, $0x0  }
0x1f: {  	s9 =	smul.u32 $0xF7A, s1;
	s8 =	simm.s32 @!p0 $0x1BF5;
	p2 =	por !p2, p0  }
0x20: {  	[sflag:s8] =	ssyncset.s32 @!p0 $0xFFFFF086;
	s6 =	sadd.s32 @!p0 s3, s7;
	s7 =	simm.s32 @!p0 $0x108  }
0x21: {  	s3 =	sadd.s32 s3, s9;
	s6 =	sadd.s32 @!p0 $0x88, s6;
	s7 =	simm.s32 @p2 $0x1082  }
0x22: {  	[simem:s7], [sflag:s8] =	dma.local @!p0 [hbm:s6], $0xF7A  }
0x23: {  	s9 =	sor.u32 $0xD0000000, s2;
	s6 =	simm.s32 $0x108;
	_ =	swait.ge @!p0 [sflag:s8], $0x0  }
0x24: {  	s3 =	sadd.s32 $0x88, s3;
	s6 =	simm.s32 @!p1 $0x1082;
	[sflag:s4] =	ssyncset.s32 $0xFFFFF086  }
0x25: {  	[simem:s6], [sflag:s4] =	dma.local [hbm:s3], $0xF7A  }
0x26: {  	[smem:$0x3F9A] =	sst s1;
	(tag) =	ssettag s2;
	_ =	strace s9  }
0x27: {  	s1 =	sld [smem:$0x3FAA]  }
0x28: {  	s2 =	sld [smem:$0x3FAB]  }
0x29: {  	s4 =	sld [smem:$0x3FAD]  }
0x2a: {  	p0 =	seq.s32 s5, $0x0;
	s5 =	sld [smem:$0x3FAE]  }
0x2b: {  	s6 =	sld [smem:$0x3FAF]  }
0x2c: {  	s7 =	sld [smem:$0x3FB0]  }
0x2d: {  	s3 =	simm.s32 $0x108;
	s8 =	sld [smem:$0x3FB1]  }
0x2e: {  	s3 =	simm.s32 @!p0 $0x1082;
	s9 =	sld [smem:$0x3FB2]  }
0x2f: {  	lr =	sadd.s32 s0, s3;
	s0 =	sld [smem:$0x3FA9]  }
0x30: {  	s3 =	sld [smem:$0x3FAC]  }
0x31: {  	[smem:$0x3FB5] =	sst s10  }
0x32: {  	s10 =	sld [smem:$0x3FB3];
	_ =	sdelay $0x3  }
0x33: {  	p0 =	seq.s32 s10, $0x1;
	s10 =	sld [smem:$0x3FB5];
	_ =	sdelay $0x3  }
0x34: {  	[smem:$0x3FB5] =	sst s10  }
0x35: {  	s10 =	sld [smem:$0x3FB4];
	_ =	sdelay $0x3  }
0x36: {  	p1 =	seq.s32 s10, $0x1;
	s10 =	sld [smem:$0x3FB5];
	_ =	sdelay $0x3  }
0x37: {  	[smem:$0x3FB5] =	sst s10  }
0x38: {  	s10 =	sld [smem:$0x3FB6]  }
0x39: {  	_ = 	snop;
	(pc) =	sbr.ind lr, $3  }
0x3a: {  	_ = 	snop  }
0x3b: {  	_ = 	snop  }
0x3c: {  	p2 =	seq.s32 s10, $0x1;
	s10 =	sld [smem:$0x3FB5]  }
0x3d: {  	_ =	shalt  }
0x3e: {  	_ =	shalt  }
0x3f: {  	_ =	shalt  }
0x40: {  	_ =	shalt  }
0x41: {  	_ =	shalt  }
0x42: {  	_ =	shalt  }
0x43: {  	_ =	shalt  }
0x44: {  	_ =	shalt  }
0x45: {  	_ =	shalt  }
0x46: {  	_ =	shalt  }
0x47: {  	_ =	shalt  }
0x48: {  	_ =	shalt  }
0x49: {  	_ =	shalt  }
0x4a: {  	_ =	shalt  }
0x4b: {  	_ =	shalt  }
0x4c: {  	_ =	shalt  }
0x4d: {  	_ =	shalt  }
0x4e: {  	_ =	shalt  }
0x4f: {  	_ =	shalt  }
0x50: {  	_ =	shalt  }
0x51: {  	_ =	shalt  }
0x52: {  	_ =	shalt  }
0x53: {  	_ =	shalt  }
0x54: {  	_ =	shalt  }
0x55: {  	_ =	shalt  }
0x56: {  	_ =	shalt  }
0x57: {  	_ =	shalt  }
0x58: {  	_ =	shalt  }
0x59: {  	_ =	shalt  }
0x5a: {  	_ =	shalt  }
0x5b: {  	_ =	shalt  }
0x5c: {  	_ =	shalt  }
0x5d: {  	_ =	shalt  }
0x5e: {  	_ =	shalt  }
0x5f: {  	_ =	shalt  }
0x60: {  	_ =	shalt  }
0x61: {  	_ =	shalt  }
0x62: {  	_ =	shalt  }
0x63: {  	_ =	shalt  }
0x64: {  	_ =	shalt  }
0x65: {  	_ =	shalt  }
0x66: {  	_ =	shalt  }
0x67: {  	_ =	shalt  }
0x68: {  	_ =	shalt  }
0x69: {  	_ =	shalt  }
0x6a: {  	_ =	shalt  }
0x6b: {  	_ =	shalt  }
0x6c: {  	_ =	shalt  }
0x6d: {  	_ =	shalt  }
0x6e: {  	_ =	shalt  }
0x6f: {  	_ =	shalt  }
0x70: {  	_ =	shalt  }
0x71: {  	_ =	shalt  }
0x72: {  	_ =	shalt  }
0x73: {  	_ =	shalt  }
0x74: {  	_ =	shalt  }
0x75: {  	_ =	shalt  }
0x76: {  	_ =	shalt  }
0x77: {  	_ =	shalt  }
0x78: {  	_ =	shalt  }
0x79: {  	_ =	shalt  }
0x7a: {  	_ =	shalt  }
0x7b: {  	_ =	shalt  }
0x7c: {  	_ =	shalt  }
0x7d: {  	_ =	shalt  }
0x7e: {  	_ =	shalt  }
0x7f: {  	_ =	shalt  }
0x80: {  	_ =	shalt  }
0x81: {  	_ =	shalt  }
0x82: {  	_ =	shalt  }
0x83: {  	_ =	shalt  }
0x84: {  	_ =	shalt  }
0x85: {  	_ =	shalt  }
0x86: {  	_ =	shalt  }
0x87: {  	_ =	shalt  }
.Lfunc_end0:
.L_simem_size_0:
called_computation_lowered:
.L_overlay_start_0:
0x88: {  	s2 =	sld [smem:$0x3FD9]  }
0x89: {  	s3 =	sld [smem:$0x3FFE];
	_ =	sdelay $0x1  }
0x8a: {  	s1 =	srdreg.scid  }
0x8b: {  	s0 =	sand.u32 $0x1, s1  }
0x8c: {  	s14 =	sshll.u32 s0, $0xA;
	s2 =	sadd.s32 s3, s2  }
0x8d: {  	s2 =	sadd.s32 s2, s14  }
0x8e: {  	[smem:$0x3FC1] =	sst s2  }
0x8f: {  	_ = 	snop  }
0x90: {  	s2 =	sld [smem:$0x3FD0];
	_ =	sdelay $0x2  }
0x91: {  	s4 =	simm.s32 $0xA;
	s5 =	simm.s32 $0x10;
	s15 =	sld [smem:$0x3FC9]  }
0x92: {  	[smem:s5], [sflag:s4] =	dma.local [hbm:s2], $0x1  }
0x93: {  	_ =	swait.eq [sflag:s4], $0x1  }
0x94: {  	[sflag:s4] =	ssyncset.done $0x0  }
0x95: {  	[sflag:s4] =	ssyncadd.s32 $0xFFFFFFFF  }
0x96: {  	s16 =	sld [smem:$0x10];
	(tm) =	ssettm $0x1  }
0x97: {  	s17 =	sld [smem:$0x3FFB];
	_ =	sdelay $0x3  }
0x98: {  	_ =	strace s17  }
0x99: {  	s4 =	sld [smem:$0x3FFC];
	_ =	sdelay $0x3  }
0x9a: {  	_ =	strace s4  }
0x9b: {  	s4 =	sld [smem:$0x3FFD];
	_ =	sdelay $0x3  }
0x9c: {  	_ =	strace s4  }
0x9d: {  	_ =	strace $0x8FFFFFFF  }
0x9e: {  	s18 =	sld [smem:$0x3FDB];
	_ =	sdelay $0x1  }
0x9f: {  	s19 =	simm.s32 $_scs_section_size  }
0xa0: {  	s6 =	simm.s32 $_size__tile_overlayer_lowered;
	s7 =	simm.s32 $_tile_overlayer_lowered  }
0xa1: {  	s22 =	simm.s32 $0x1BFF;
	s21 =	sshll.u32 s7, $0x1;
	s4 =	sadd.s32 s19, s18  }
0xa2: {  	s8 =	simm.s32 $0x0;
	s20 =	sshll.u32 s6, $0x1;
	s6 =	sadd.s32 s21, s4  }
0xa3: {  	[timem:s8], [sflag:s22] =	dma.local [hbm:s6], s20  }
0xa4: {  	_ =	swait.ge [sflag:s22], s20  }
0xa5: {  	s5 =	ssub.s32 $0x0, s20;
	[sflag:s22] =	ssyncset.done $0x0  }
0xa6: {  	[sflag:s22] =	ssyncadd.s32 s5;
	_ =	sdelay $0x1  }
0xa7: {  	s23 =	simm.s32 $0x1B8B  }
0xa8: {  	_ =	swait.ge [sflag:s23], $0x1  }
0xa9: {  	[sflag:s23] =	ssyncset.done $0x0  }
0xaa: {  	s25 =	simm.s32 $0x1B8E;
	s24 =	sld [smem:$0x3FFE];
	[sflag:s23] =	ssyncadd.s32 $0xFFFFFFFF  }
0xab: {  	s26 =	simm.s32 $execute0_lowered;
	[smem:$0x3FD2] =	sst s25  }
0xac: {  	s6 =	sshll.u32 s26, $0x1;
	_ =	strace $0x80000046;
	[dreg:$0x1] =	wrdreg $0xFFFFFFFF  }
0xad: {  	s28 =	simm.s32 $_size_execute0_lowered;
	s4 =	sadd.s32 s4, s6;
	[dreg:$0x0] =	wrdreg $0x0  }
0xae: {  	s6 =	sshll.u32 s28, $0x1;
	[dreg:$0x2] =	wrdreg s4  }
0xaf: {  	[dreg:$0x3] =	wrdreg s6  }
0xb0: {  	[dreg:$0x4] =	wrdreg $0xC0  }
0xb1: {  	_ =	task [dreg:s8], $0x5FFFF  }
0xb2: {  	[dreg:$0x1] =	wrdreg $0xFFFFFFFF  }
0xb3: {  	[dreg:$0x0] =	wrdreg $0x60  }
0xb4: {  	[dreg:$0x2] =	wrdreg s15  }
0xb5: {  	[dreg:$0x3] =	wrdreg s16  }
0xb6: {  	[dreg:$0x4] =	wrdreg s24  }
0xb7: {  	[dreg:$0x5] =	wrdreg $0x9  }
0xb8: {  	_ =	task.clear_ibuf [dreg:s8], $0x6FFFF;
	_ =	strace $0x90000046  }
0xb9: {  	s29 =	simm.s32 $0x9;
	_ =	strace $0x80000048  }
0xba: {  	_ =	swait.ge [sflag:s29], $0x1  }
0xbb: {  	[sflag:s29] =	ssyncadd.s32 $0xFFFFFFFF  }
0xbc: {  	_ =	strace $0x90000048  }
0xbd: {  	_ =	sfence  }
0xbe: {  	s30 =	sld [smem:$0x0];
	_ =	sdelay $0x2  }
0xbf: {  	s31 =	sshll.u32 s1, $0xD;
	s1 =	sshrl.u32 s1, $0x2  }
0xc0: {  	s3 =	sand.u32 $0x4000, s31;
	s1 =	sadd.s32 s1, s30  }
0xc1: {  	s0 =	sor.u32 s3, s0;
	s1 =	sshll.u32 s1, $0x11  }
0xc2: {  	s0 =	sor.u32 s1, s0  }
0xc3: {  	s0 =	sadd.s32 $0x8F2B, s0  }
0xc4: {  	[sflag:s0] =	ssyncadd.remote.s32 $0x1  }
0xc5: {  	_ =	sfence.sel $0xFFFF  }
0xc6: {  	[dreg:$0x0] =	wrdreg $0xFFFFFFFF;
	(pc) =	sbr.abs _section_cstart, $3  }
0xc7: {  	[dreg:$0x1] =	wrdreg $0xFFFFFFFF  }
0xc8: {  	_ =	task.clear_ibuf [dreg:s8], $0x2FFFF;
	_ =	strace $0x9FFFFFFF  }
0xc9: {  	(tm) =	ssettm $0x7FFFFFFF  }
tec
execute0_lowered:
.L_overlay_start_1:
0x0: {  	(tag) =	ssettag $0x1  }
0x1: {  	s0 =	rddreg [dreg:$0x0]  }
0x2: {  	s1 =	rddreg [dreg:$0x1]  }
0x3: {  	s6 =	rddreg [dreg:$0x2]  }
0x4: {  	s3 =	srdreg.scid;
	s4 =	stileid.u32;
	s2 =	simm.s32 $0x0  }
0x5: {  	s26 =	simm.s32 $0x80;
	s10 =	simm.s32 $0x1;
	s28 =	simm.s32 $0x3100  }
0x6: {  	s29 =	simm.s32 $0x3900;
	s30 =	simm.s32 $0x4100;
	s31 =	simm.s32 $0x4900  }
0x7: {  	s12 =	simm.s32 $0x6100;
	s13 =	simm.s32 $0x6900;
	s14 =	simm.s32 $0x7100  }
0x8: {  	s15 =	simm.s32 $0x7900;
	s16 =	simm.s32 $0x8100;
	s17 =	simm.s32 $0x8900  }
0x9: {  	s18 =	simm.s32 $0x9100;
	s19 =	simm.s32 $0x9900;
	s20 =	simm.s32 $0xA100  }
0xa: {  	s21 =	simm.s32 $0xA900;
	s3 =	sand.u32 $0x1, s3;
	s4 =	sshll.u32 s4, $0x1  }
0xb: {  	s9 =	simm.s32 $0xB900;
	[smem:$0x7FF] =	sst s2;
	s4 =	sor.u32 s3, s4  }
0xc: {  	_ =	strace $0x80000047;
	s5 =	ssub.s32 $0x2, s3;
	s3 =	sadd.s32 $0x200, s6  }
0xd: {  	[dreg:$0x7] =	wrdreg s26;
	s26 =	simm.s32 $0x2900;
	s7 =	sshll.u32 s4, $0x4  }
0xe: {  	s8 =	sshrl.u32 s5, $0x1;
	s4 =	sshll.u32 s4, $0xD;
	s1 =	sadd.s32 s1, s7  }
0xf: {  	s24 =	sadd.s32 s6, s7;
	s25 =	ssub.s32 s5, s8;
	[dreg:$0x4] =	wrdreg s1  }
0x10: {  	v2 =	vlaneseq.u32;
	s0 =	sadd.s32 s0, s4;
	s4 =	sadd.s32 $0x300, s6;
	[dreg:$0x5] =	wrdreg s24  }
0x11: {  	vm0 =	vmmov $0xffff;
	v1 =	vshrl.u32 v2, $0x3;
	s5 =	sadd.s32 $0x400, s6;
	s6 =	sadd.s32 $0x500, s6;
	[dreg:$0x6] =	wrdreg s0  }
0x12: {  	v0 =	vand.u32 $0x7, v2;
	v2 =	vor.u32 $0x8, v2;
	v1 =	vmul.u32 $0x8, v1;
	s7 =	smax.u32 s25, $0x1;
	s1 =	simm.s32 $0x2;
	s25 =	simm.s32 $0x2100  }
.LBB2_1:
0x13: {  	s22 =	rddreg [dreg:$0x4]  }
0x14: {  	s23 =	rddreg [dreg:$0x5]  }
0x15: {  	[tilespmem:s2], [sflag:$0x1] =	stream.linear.gather [hbm4b:s22+s2], $0x80, $0x38;
	[tilespmem:$0x10100] =	vst v63  }
0x16: {  	s24 =	rddreg [dreg:$0x7]  }
0x17: {  	[tilespmem:s24], [sflag:$0x2] =	stream.linear.gather [hbm4b:s23+s2], $0x80, $0x38;
	[tilespmem:$0x10100] =	vst v63  }
0x18: {  	s0 =	rddreg [dreg:$0x6];
	s11 =	simm.s32 $0x100  }
0x19: {  	[tilespmem:s11], [sflag:$0x3] =	stream.linear.gather [hbm4b:s0+s2], $0x10000, $0x38;
	[tilespmem:$0x10100] =	vst v63  }
0x1a: {  	_ =	swait.ge [sflag:s10], $0x80  }
0x1b: {  	[sflag:s10] =	ssyncset.done $0x0  }
0x1c: {  	[sflag:s10] =	ssyncadd.s32 $0xFFFFFF80  }
0x1d: {  	_ =	swait.ge [sflag:s1], $0x80  }
0x1e: {  	[sflag:s1] =	ssyncset.done $0x0  }
0x1f: {  	s0 =	simm.s32 $0x3;
	[sflag:s1] =	ssyncadd.s32 $0xFFFFFF80  }
0x20: {  	_ =	swait.ge [sflag:s0], $0x10000  }
0x21: {  	[sflag:s0] =	ssyncset.done $0x0  }
0x22: {  	[sflag:s0] =	ssyncadd.s32 $0xFFFF0000  }
0x23: {  	v3 =	vld [tilespmem:$0x0];
	_ =	sdelay $0x4  }
0x24: {  	v4 =	vshll.u32 v3, $0x3  }
0x25: {  	v3 =	vand.u32 $0x7, v3;
	v4 =	vand.u32 $0xFFFFFFC0, v4  }
0x26: {  	v3 =	vor.u32 v3, v4  }
0x27: {  	v4 =	vperm.xlane v3, v0;
	_ =	sdelay $0x1  }
0x28: {  	v4 =	vadd.s32 v1, v4;
	_ =	sdelay $0x4  }
0x29: {  	[hbm4b:s3+s2] =	stream.indirect_vreg.scatter [tilespmem:s11], [sflag:$0x1], $0x80, v4, vm0, $0xb8;
	[tilespmem:$0x10100] =	vst v63  }
0x2a: {  	s22 =	simm.s32 $0x900;
	v3 =	vperm.xlane v3, v2  }
0x2b: {  	[hbm4b:s4+s2] =	stream.indirect_vreg.scatter [tilespmem:s22], [sflag:$0x1], $0x80, v4, vm0, $0xb8;
	[tilespmem:$0x10100] =	vst v63  }
0x2c: {  	s23 =	simm.s32 $0x1100;
	v3 =	vadd.s32 v1, v3  }
0x2d: {  	[hbm4b:s5+s2] =	stream.indirect_vreg.scatter [tilespmem:s23], [sflag:$0x1], $0x80, v4, vm0, $0xb8;
	[tilespmem:$0x10100] =	vst v63  }
0x2e: {  	s24 =	simm.s32 $0x1900  }
0x2f: {  	[hbm4b:s6+s2] =	stream.indirect_vreg.scatter [tilespmem:s24], [sflag:$0x1], $0x80, v4, vm0, $0xb8;
	[tilespmem:$0x10100] =	vst v63  }
0x30: {  	_ = 	snop  }
0x31: {  	[hbm4b:s3+s2] =	stream.indirect_vreg.scatter [tilespmem:s25], [sflag:$0x1], $0x80, v3, vm0, $0xb8;
	[tilespmem:$0x10100] =	vst v63  }
0x32: {  	_ = 	snop  }
0x33: {  	[hbm4b:s4+s2] =	stream.indirect_vreg.scatter [tilespmem:s26], [sflag:$0x1], $0x80, v3, vm0, $0xb8;
	[tilespmem:$0x10100] =	vst v63  }
0x34: {  	_ = 	snop  }
0x35: {  	[hbm4b:s5+s2] =	stream.indirect_vreg.scatter [tilespmem:s28], [sflag:$0x1], $0x80, v3, vm0, $0xb8;
	[tilespmem:$0x10100] =	vst v63  }
0x36: {  	_ = 	snop  }
0x37: {  	[hbm4b:s6+s2] =	stream.indirect_vreg.scatter [tilespmem:s29], [sflag:$0x1], $0x80, v3, vm0, $0xb8;
	[tilespmem:$0x10100] =	vst v63  }
0x38: {  	v3 =	vld [tilespmem:$0x10];
	_ =	sdelay $0x4  }
0x39: {  	v57 =	vshll.u32 v3, $0x3  }
0x3a: {  	v3 =	vand.u32 $0x7, v3;
	v4 =	vand.u32 $0xFFFFFFC0, v57  }
0x3b: {  	v3 =	vor.u32 v3, v4  }
0x3c: {  	v4 =	vperm.xlane v3, v0;
	_ =	sdelay $0x1  }
0x3d: {  	v4 =	vadd.s32 v1, v4;
	_ =	sdelay $0x4  }
0x3e: {  	[hbm4b:s3+s2] =	stream.indirect_vreg.scatter [tilespmem:s30], [sflag:$0x1], $0x80, v4, vm0, $0xb8;
	[tilespmem:$0x10100] =	vst v63  }
0x3f: {  	v3 =	vperm.xlane v3, v2  }
0x40: {  	[hbm4b:s4+s2] =	stream.indirect_vreg.scatter [tilespmem:s31], [sflag:$0x1], $0x80, v4, vm0, $0xb8;
	[tilespmem:$0x10100] =	vst v63  }
0x41: {  	s8 =	simm.s32 $0x5100;
	v3 =	vadd.s32 v1, v3  }
0x42: {  	[hbm4b:s5+s2] =	stream.indirect_vreg.scatter [tilespmem:s8], [sflag:$0x1], $0x80, v4, vm0, $0xb8;
	[tilespmem:$0x10100] =	vst v63  }
0x43: {  	s8 =	simm.s32 $0x5900  }
0x44: {  	[hbm4b:s6+s2] =	stream.indirect_vreg.scatter [tilespmem:s8], [sflag:$0x1], $0x80, v4, vm0, $0xb8;
	[tilespmem:$0x10100] =	vst v63  }
0x45: {  	_ = 	snop  }
0x46: {  	[hbm4b:s3+s2] =	stream.indirect_vreg.scatter [tilespmem:s12], [sflag:$0x1], $0x80, v3, vm0, $0xb8;
	[tilespmem:$0x10100] =	vst v63  }
0x47: {  	_ = 	snop  }
0x48: {  	[hbm4b:s4+s2] =	stream.indirect_vreg.scatter [tilespmem:s13], [sflag:$0x1], $0x80, v3, vm0, $0xb8;
	[tilespmem:$0x10100] =	vst v63  }
0x49: {  	_ = 	snop  }
0x4a: {  	[hbm4b:s5+s2] =	stream.indirect_vreg.scatter [tilespmem:s14], [sflag:$0x1], $0x80, v3, vm0, $0xb8;
	[tilespmem:$0x10100] =	vst v63  }
0x4b: {  	_ = 	snop  }
0x4c: {  	[hbm4b:s6+s2] =	stream.indirect_vreg.scatter [tilespmem:s15], [sflag:$0x1], $0x80, v3, vm0, $0xb8;
	[tilespmem:$0x10100] =	vst v63  }
0x4d: {  	v3 =	vld [tilespmem:$0x20];
	_ =	sdelay $0x4  }
0x4e: {  	v58 =	vshll.u32 v3, $0x3  }
0x4f: {  	v3 =	vand.u32 $0x7, v3;
	v4 =	vand.u32 $0xFFFFFFC0, v58  }
0x50: {  	v3 =	vor.u32 v3, v4  }
0x51: {  	v4 =	vperm.xlane v3, v0;
	_ =	sdelay $0x1  }
0x52: {  	v4 =	vadd.s32 v1, v4;
	_ =	sdelay $0x4  }
0x53: {  	[hbm4b:s3+s2] =	stream.indirect_vreg.scatter [tilespmem:s16], [sflag:$0x1], $0x80, v4, vm0, $0xb8;
	[tilespmem:$0x10100] =	vst v63  }
0x54: {  	v3 =	vperm.xlane v3, v2  }
0x55: {  	[hbm4b:s4+s2] =	stream.indirect_vreg.scatter [tilespmem:s17], [sflag:$0x1], $0x80, v4, vm0, $0xb8;
	[tilespmem:$0x10100] =	vst v63  }
0x56: {  	v3 =	vadd.s32 v1, v3  }
0x57: {  	[hbm4b:s5+s2] =	stream.indirect_vreg.scatter [tilespmem:s18], [sflag:$0x1], $0x80, v4, vm0, $0xb8;
	[tilespmem:$0x10100] =	vst v63  }
0x58: {  	_ = 	snop  }
0x59: {  	[hbm4b:s6+s2] =	stream.indirect_vreg.scatter [tilespmem:s19], [sflag:$0x1], $0x80, v4, vm0, $0xb8;
	[tilespmem:$0x10100] =	vst v63  }
0x5a: {  	_ = 	snop  }
0x5b: {  	[hbm4b:s3+s2] =	stream.indirect_vreg.scatter [tilespmem:s20], [sflag:$0x1], $0x80, v3, vm0, $0xb8;
	[tilespmem:$0x10100] =	vst v63  }
0x5c: {  	_ = 	snop  }
0x5d: {  	[hbm4b:s4+s2] =	stream.indirect_vreg.scatter [tilespmem:s21], [sflag:$0x1], $0x80, v3, vm0, $0xb8;
	[tilespmem:$0x10100] =	vst v63  }
0x5e: {  	s8 =	simm.s32 $0xB100  }
0x5f: {  	[hbm4b:s5+s2] =	stream.indirect_vreg.scatter [tilespmem:s8], [sflag:$0x1], $0x80, v3, vm0, $0xb8;
	[tilespmem:$0x10100] =	vst v63  }
0x60: {  	_ = 	snop  }
0x61: {  	[hbm4b:s6+s2] =	stream.indirect_vreg.scatter [tilespmem:s9], [sflag:$0x1], $0x80, v3, vm0, $0xb8;
	[tilespmem:$0x10100] =	vst v63  }
0x62: {  	v3 =	vld [tilespmem:$0x30];
	_ =	sdelay $0x4  }
0x63: {  	v59 =	vshll.u32 v3, $0x3  }
0x64: {  	v3 =	vand.u32 $0x7, v3;
	v4 =	vand.u32 $0xFFFFFFC0, v59  }
0x65: {  	v3 =	vor.u32 v3, v4  }
0x66: {  	v4 =	vperm.xlane v3, v0;
	_ =	sdelay $0x1  }
0x67: {  	v4 =	vadd.s32 v1, v4;
	_ =	sdelay $0x3  }
0x68: {  	s0 =	simm.s32 $0xC100  }
0x69: {  	[hbm4b:s3+s2] =	stream.indirect_vreg.scatter [tilespmem:s0], [sflag:$0x1], $0x80, v4, vm0, $0xb8;
	[tilespmem:$0x10100] =	vst v63  }
0x6a: {  	v3 =	vperm.xlane v3, v2;
	s0 =	simm.s32 $0xC900  }
0x6b: {  	[hbm4b:s4+s2] =	stream.indirect_vreg.scatter [tilespmem:s0], [sflag:$0x1], $0x80, v4, vm0, $0xb8;
	[tilespmem:$0x10100] =	vst v63  }
0x6c: {  	v3 =	vadd.s32 v1, v3;
	s0 =	simm.s32 $0xD100  }
0x6d: {  	[hbm4b:s5+s2] =	stream.indirect_vreg.scatter [tilespmem:s0], [sflag:$0x1], $0x80, v4, vm0, $0xb8;
	[tilespmem:$0x10100] =	vst v63  }
0x6e: {  	s0 =	simm.s32 $0xD900  }
0x6f: {  	[hbm4b:s6+s2] =	stream.indirect_vreg.scatter [tilespmem:s0], [sflag:$0x1], $0x80, v4, vm0, $0xb8;
	[tilespmem:$0x10100] =	vst v63  }
0x70: {  	s0 =	simm.s32 $0xE100  }
0x71: {  	[hbm4b:s3+s2] =	stream.indirect_vreg.scatter [tilespmem:s0], [sflag:$0x1], $0x80, v3, vm0, $0xb8;
	[tilespmem:$0x10100] =	vst v63  }
0x72: {  	s0 =	simm.s32 $0xE900  }
0x73: {  	[hbm4b:s4+s2] =	stream.indirect_vreg.scatter [tilespmem:s0], [sflag:$0x1], $0x80, v3, vm0, $0xb8;
	[tilespmem:$0x10100] =	vst v63  }
0x74: {  	s0 =	simm.s32 $0xF100  }
0x75: {  	[hbm4b:s5+s2] =	stream.indirect_vreg.scatter [tilespmem:s0], [sflag:$0x1], $0x80, v3, vm0, $0xb8;
	[tilespmem:$0x10100] =	vst v63  }
0x76: {  	s0 =	simm.s32 $0xF900  }
0x77: {  	[hbm4b:s6+s2] =	stream.indirect_vreg.scatter [tilespmem:s0], [sflag:$0x1], $0x80, v3, vm0, $0xb8;
	[tilespmem:$0x10100] =	vst v63  }
0x78: {  	v3 =	vld [tilespmem:$0x80];
	_ =	sdelay $0x4  }
0x79: {  	v60 =	vshll.u32 v3, $0x3  }
0x7a: {  	v3 =	vand.u32 $0x7, v3;
	v4 =	vand.u32 $0xFFFFFFC0, v60  }
0x7b: {  	v3 =	vor.u32 v3, v4  }
0x7c: {  	v4 =	vperm.xlane v3, v0;
	_ =	sdelay $0x1  }
0x7d: {  	v4 =	vadd.s32 v1, v4;
	_ =	sdelay $0x4  }
0x7e: {  	[hbm4b:s3+s2] =	stream.indirect_vreg.scatter [tilespmem:s11], [sflag:$0x2], $0x80, v4, vm0, $0xb8;
	[tilespmem:$0x10100] =	vst v63  }
0x7f: {  	v3 =	vperm.xlane v3, v2  }
0x80: {  	[hbm4b:s4+s2] =	stream.indirect_vreg.scatter [tilespmem:s22], [sflag:$0x2], $0x80, v4, vm0, $0xb8;
	[tilespmem:$0x10100] =	vst v63  }
0x81: {  	v3 =	vadd.s32 v1, v3  }
0x82: {  	[hbm4b:s5+s2] =	stream.indirect_vreg.scatter [tilespmem:s23], [sflag:$0x2], $0x80, v4, vm0, $0xb8;
	[tilespmem:$0x10100] =	vst v63  }
0x83: {  	_ = 	snop  }
0x84: {  	[hbm4b:s6+s2] =	stream.indirect_vreg.scatter [tilespmem:s24], [sflag:$0x2], $0x80, v4, vm0, $0xb8;
	[tilespmem:$0x10100] =	vst v63  }
0x85: {  	_ = 	snop  }
0x86: {  	[hbm4b:s3+s2] =	stream.indirect_vreg.scatter [tilespmem:s25], [sflag:$0x2], $0x80, v3, vm0, $0xb8;
	[tilespmem:$0x10100] =	vst v63  }
0x87: {  	_ = 	snop  }
0x88: {  	[hbm4b:s4+s2] =	stream.indirect_vreg.scatter [tilespmem:s26], [sflag:$0x2], $0x80, v3, vm0, $0xb8;
	[tilespmem:$0x10100] =	vst v63  }
0x89: {  	_ = 	snop  }
0x8a: {  	[hbm4b:s5+s2] =	stream.indirect_vreg.scatter [tilespmem:s28], [sflag:$0x2], $0x80, v3, vm0, $0xb8;
	[tilespmem:$0x10100] =	vst v63  }
0x8b: {  	_ = 	snop  }
0x8c: {  	[hbm4b:s6+s2] =	stream.indirect_vreg.scatter [tilespmem:s29], [sflag:$0x2], $0x80, v3, vm0, $0xb8;
	[tilespmem:$0x10100] =	vst v63  }
0x8d: {  	v3 =	vld [tilespmem:$0x90];
	_ =	sdelay $0x4  }
0x8e: {  	v61 =	vshll.u32 v3, $0x3  }
0x8f: {  	v3 =	vand.u32 $0x7, v3;
	v4 =	vand.u32 $0xFFFFFFC0, v61  }
0x90: {  	v3 =	vor.u32 v3, v4  }
0x91: {  	v4 =	vperm.xlane v3, v0;
	_ =	sdelay $0x1  }
0x92: {  	v4 =	vadd.s32 v1, v4;
	_ =	sdelay $0x4  }
0x93: {  	[hbm4b:s3+s2] =	stream.indirect_vreg.scatter [tilespmem:s30], [sflag:$0x2], $0x80, v4, vm0, $0xb8;
	[tilespmem:$0x10100] =	vst v63  }
0x94: {  	v3 =	vperm.xlane v3, v2  }
0x95: {  	[hbm4b:s4+s2] =	stream.indirect_vreg.scatter [tilespmem:s31], [sflag:$0x2], $0x80, v4, vm0, $0xb8;
	[tilespmem:$0x10100] =	vst v63  }
0x96: {  	s23 =	simm.s32 $0x5100;
	v3 =	vadd.s32 v1, v3  }
0x97: {  	[hbm4b:s5+s2] =	stream.indirect_vreg.scatter [tilespmem:s23], [sflag:$0x2], $0x80, v4, vm0, $0xb8;
	[tilespmem:$0x10100] =	vst v63  }
0x98: {  	s24 =	simm.s32 $0x5900  }
0x99: {  	[hbm4b:s6+s2] =	stream.indirect_vreg.scatter [tilespmem:s24], [sflag:$0x2], $0x80, v4, vm0, $0xb8;
	[tilespmem:$0x10100] =	vst v63  }
0x9a: {  	_ = 	snop  }
0x9b: {  	[hbm4b:s3+s2] =	stream.indirect_vreg.scatter [tilespmem:s12], [sflag:$0x2], $0x80, v3, vm0, $0xb8;
	[tilespmem:$0x10100] =	vst v63  }
0x9c: {  	_ = 	snop  }
0x9d: {  	[hbm4b:s4+s2] =	stream.indirect_vreg.scatter [tilespmem:s13], [sflag:$0x2], $0x80, v3, vm0, $0xb8;
	[tilespmem:$0x10100] =	vst v63  }
0x9e: {  	_ = 	snop  }
0x9f: {  	[hbm4b:s5+s2] =	stream.indirect_vreg.scatter [tilespmem:s14], [sflag:$0x2], $0x80, v3, vm0, $0xb8;
	[tilespmem:$0x10100] =	vst v63  }
0xa0: {  	_ = 	snop  }
0xa1: {  	[hbm4b:s6+s2] =	stream.indirect_vreg.scatter [tilespmem:s15], [sflag:$0x2], $0x80, v3, vm0, $0xb8;
	[tilespmem:$0x10100] =	vst v63  }
0xa2: {  	v3 =	vld [tilespmem:$0xA0];
	_ =	sdelay $0x4  }
0xa3: {  	v62 =	vshll.u32 v3, $0x3  }
0xa4: {  	v3 =	vand.u32 $0x7, v3;
	v4 =	vand.u32 $0xFFFFFFC0, v62  }
0xa5: {  	v3 =	vor.u32 v3, v4  }
0xa6: {  	v4 =	vperm.xlane v3, v0;
	_ =	sdelay $0x1  }
0xa7: {  	v4 =	vadd.s32 v1, v4;
	_ =	sdelay $0x4  }
0xa8: {  	[hbm4b:s3+s2] =	stream.indirect_vreg.scatter [tilespmem:s16], [sflag:$0x2], $0x80, v4, vm0, $0xb8;
	[tilespmem:$0x10100] =	vst v63  }
0xa9: {  	v3 =	vperm.xlane v3, v2  }
0xaa: {  	[hbm4b:s4+s2] =	stream.indirect_vreg.scatter [tilespmem:s17], [sflag:$0x2], $0x80, v4, vm0, $0xb8;
	[tilespmem:$0x10100] =	vst v63  }
0xab: {  	v3 =	vadd.s32 v1, v3  }
0xac: {  	[hbm4b:s5+s2] =	stream.indirect_vreg.scatter [tilespmem:s18], [sflag:$0x2], $0x80, v4, vm0, $0xb8;
	[tilespmem:$0x10100] =	vst v63  }
0xad: {  	_ = 	snop  }
0xae: {  	[hbm4b:s6+s2] =	stream.indirect_vreg.scatter [tilespmem:s19], [sflag:$0x2], $0x80, v4, vm0, $0xb8;
	[tilespmem:$0x10100] =	vst v63  }
0xaf: {  	_ = 	snop  }
0xb0: {  	[hbm4b:s3+s2] =	stream.indirect_vreg.scatter [tilespmem:s20], [sflag:$0x2], $0x80, v3, vm0, $0xb8;
	[tilespmem:$0x10100] =	vst v63  }
0xb1: {  	_ = 	snop  }
0xb2: {  	[hbm4b:s4+s2] =	stream.indirect_vreg.scatter [tilespmem:s21], [sflag:$0x2], $0x80, v3, vm0, $0xb8;
	[tilespmem:$0x10100] =	vst v63  }
0xb3: {  	_ = 	snop  }
0xb4: {  	[hbm4b:s5+s2] =	stream.indirect_vreg.scatter [tilespmem:s8], [sflag:$0x2], $0x80, v3, vm0, $0xb8;
	[tilespmem:$0x10100] =	vst v63  }
0xb5: {  	_ = 	snop  }
0xb6: {  	[hbm4b:s6+s2] =	stream.indirect_vreg.scatter [tilespmem:s9], [sflag:$0x2], $0x80, v3, vm0, $0xb8;
	[tilespmem:$0x10100] =	vst v63  }
0xb7: {  	v3 =	vld [tilespmem:$0xB0];
	_ =	sdelay $0x4  }
0xb8: {  	v63 =	vshll.u32 v3, $0x3  }
0xb9: {  	v3 =	vand.u32 $0x7, v3;
	v4 =	vand.u32 $0xFFFFFFC0, v63  }
0xba: {  	v3 =	vor.u32 v3, v4  }
0xbb: {  	v4 =	vperm.xlane v3, v0;
	_ =	sdelay $0x1  }
0xbc: {  	v4 =	vadd.s32 v1, v4;
	_ =	sdelay $0x3  }
0xbd: {  	s22 =	simm.s32 $0xC100  }
0xbe: {  	[hbm4b:s3+s2] =	stream.indirect_vreg.scatter [tilespmem:s22], [sflag:$0x2], $0x80, v4, vm0, $0xb8;
	[tilespmem:$0x10100] =	vst v63  }
0xbf: {  	s23 =	simm.s32 $0xC900;
	v3 =	vperm.xlane v3, v2  }
0xc0: {  	[hbm4b:s4+s2] =	stream.indirect_vreg.scatter [tilespmem:s23], [sflag:$0x2], $0x80, v4, vm0, $0xb8;
	[tilespmem:$0x10100] =	vst v63  }
0xc1: {  	s24 =	simm.s32 $0xD100;
	v3 =	vadd.s32 v1, v3  }
0xc2: {  	[hbm4b:s5+s2] =	stream.indirect_vreg.scatter [tilespmem:s24], [sflag:$0x2], $0x80, v4, vm0, $0xb8;
	[tilespmem:$0x10100] =	vst v63  }
0xc3: {  	s11 =	simm.s32 $0xD900  }
0xc4: {  	[hbm4b:s6+s2] =	stream.indirect_vreg.scatter [tilespmem:s11], [sflag:$0x2], $0x80, v4, vm0, $0xb8;
	[tilespmem:$0x10100] =	vst v63  }
0xc5: {  	s22 =	simm.s32 $0xE100  }
0xc6: {  	[hbm4b:s3+s2] =	stream.indirect_vreg.scatter [tilespmem:s22], [sflag:$0x2], $0x80, v3, vm0, $0xb8;
	[tilespmem:$0x10100] =	vst v63  }
0xc7: {  	s23 =	simm.s32 $0xE900  }
0xc8: {  	[hbm4b:s4+s2] =	stream.indirect_vreg.scatter [tilespmem:s23], [sflag:$0x2], $0x80, v3, vm0, $0xb8;
	[tilespmem:$0x10100] =	vst v63  }
0xc9: {  	s24 =	simm.s32 $0xF100  }
0xca: {  	[hbm4b:s5+s2] =	stream.indirect_vreg.scatter [tilespmem:s24], [sflag:$0x2], $0x80, v3, vm0, $0xb8;
	[tilespmem:$0x10100] =	vst v63  }
0xcb: {  	_ = 	snop  }
0xcc: {  	[hbm4b:s6+s2] =	stream.indirect_vreg.scatter [tilespmem:s0], [sflag:$0x2], $0x80, v3, vm0, $0xb8;
	[tilespmem:$0x10100] =	vst v63  }
0xcd: {  	p0 =	sne.s32 s7, $0x1;
	_ =	swait.ge [sflag:s10], $0x10000  }
.Ltmp0:
0xce: {  	[sflag:s10] =	ssyncset.done $0x0;
	(pc) =	sbr.rel @p0 .LBB2_1-.Ltmp0, $4  }
0xcf: {  	[sflag:s10] =	ssyncadd.s32 $0xFFFF0000  }
0xd0: {  	_ =	swait.ge [sflag:s1], $0x10000  }
0xd1: {  	[sflag:s1] =	ssyncset.done $0x0  }
0xd2: {  	s7 =	sadd.s32 $0xFFFFFFFF, s7;
	[sflag:s1] =	ssyncadd.s32 $0xFFFF0000  }
0xd3: {  	_ =	sfence.sel $0x180000  }
0xd4: {  	[bflag:$0x0] =	sbarrier.arrive $0xFFFF  }
0xd5: {  	_ =	strace $0x90000047  }
0xd6: {  	s0 =	stileid.u32;
	[bflag:$0x2] =	sbarrier.arrive $0xFFFF  }
0xd7: {  	p0 =	sne.s32 s0, $0x0;
	s0 =	rddreg [dreg:$0x3]  }
0xd8: {  	s0 =	sadd.s32 @!p0 $0x100000, s0  }
0xd9: {  	[sflag:s0] =	ssyncadd.tile.s32 @!p0 $0x1;
	_ =	shalt  }
.Lfunc_end2:
_tile_overlayer_lowered:
.L_overlay_start_2:
0xda: {  	(tag) =	ssettag $0x2  }
0xdb: {  	s0 =	rddreg [dreg:$0x0];
	s2 =	stileid.u32  }
0xdc: {  	s1 =	rddreg [dreg:$0x1];
	p0 =	sne.s32 s2, $0x0  }
0xdd: {  	s3 =	rddreg [dreg:$0x2];
	[bflag:$0x3] =	sbarrier.arrive $0xFFFF;
	s2 =	simm.s32 @!p0 $0x1C04  }
0xde: {  	[timem:s3], [sflag:s2] =	dma.local @!p0 [hbm:s0], s1  }
0xdf: {  	s0 =	simm.s32 @!p0 $0x4  }
0xe0: {  	_ =	swait.ge @!p0 [sflag:s0], s1  }
0xe1: {  	s1 =	ssub.s32 @!p0 $0x0, s1;
	[sflag:s0] =	ssyncset.done @!p0 $0x0  }
0xe2: {  	[sflag:s0] =	ssyncadd.s32 @!p0 s1  }
0xe3: {  	[bflag:$0x3] =	sbarrier.arrive $0xFFFF  }
0xe4: {  	_ =	shalt  }

</sc_bundles>
